<compile_context>
chip_gen: v7x
topology: tpu7x:2x2x1
jax: 0.10.2.dev20260603
libtpu: 0.0.44.dev20260713+nightly
codegen_flags: <defaults>
</compile_context>

<pallas_src>
import functools
import jax
import jax.numpy as jnp
from jax import lax
from jax.experimental import pallas as pl
from jax.experimental.pallas import tpu as pltpu
from jax.experimental.pallas import tpu_sc as plsc

NC = 2
NS = 16
NW = NC * NS
B = 128
ROWS = 2048
ALPHA = 0.05


def _ceil_to(a, m):
    return (a + m - 1) // m * m



def _deg_kernel(npad, k, dst_hbm, deg_out, deg_sp, dst_v, ones_v, buf_v, sem):
    cid = lax.axis_index("c")
    sid = lax.axis_index("s")
    w = cid * NS + sid
    rows_per_tile = npad // NS

    @pl.loop(0, rows_per_tile, step=16)
    def _(i):
        buf_v[pl.ds(i, 16)] = jnp.zeros((16,), jnp.float32)

    @pl.loop(0, B, step=16)
    def _(i):
        ones_v[pl.ds(i, 16)] = jnp.ones((16,), jnp.float32)

    pltpu.sync_copy(buf_v, deg_sp.at[pl.ds(sid * rows_per_tile, rows_per_tile)])
    pltpu.sync_copy(dst_hbm.at[w], dst_v)
    plsc.subcore_barrier()

    @pl.loop(0, k)
    def _(j):
        pltpu.async_copy(ones_v, deg_sp.at[dst_v.at[j]], sem, add=True)

    @pl.loop(0, k)
    def _(j):
        pltpu.make_async_copy(ones_v, deg_sp.at[dst_v.at[j]], sem).wait()

    plsc.subcore_barrier()
    sl = pl.ds(sid * rows_per_tile, rows_per_tile)
    pltpu.sync_copy(deg_sp.at[sl], buf_v)
    pltpu.sync_copy(buf_v, deg_out.at[cid, sl])


def _scatter_kernel(npad, k, nbuf, ph, gs_hbm, src_hbm, dst_hbm, acc_out,
                    acc_sp, src_v, dst_v, rows_v, gsem, ssem):
    cid = lax.axis_index("c")
    sid = lax.axis_index("s")
    w = cid * NS + sid
    rows_per_tile = npad // NS
    nz = rows_per_tile // B

    @pl.loop(0, B)
    def _(i):
        @pl.loop(0, 128, step=16)
        def _(j):
            rows_v[0, i, pl.ds(j, 16)] = jnp.zeros((16,), jnp.float32)

    @pl.loop(0, nz)
    def _(c):
        pltpu.sync_copy(rows_v.at[0],
                        acc_sp.at[pl.ds(sid * rows_per_tile + c * B, B)])

    plsc.subcore_barrier()

    off = 0
    while off < k:
        length = min(ph, k - off)
        pltpu.sync_copy(src_hbm.at[w, pl.ds(off, length)],
                        src_v.at[pl.ds(0, length)])
        pltpu.sync_copy(dst_hbm.at[w, pl.ds(off, length)],
                        dst_v.at[pl.ds(0, length)])

        for b in range(nbuf):
            pltpu.async_copy(gs_hbm.at[src_v.at[b]], rows_v.at[b], gsem.at[b])

        @pl.loop(0, length, step=nbuf)
        def _(j):
            for b in range(nbuf):
                pltpu.make_async_copy(gs_hbm.at[src_v.at[j + b]], rows_v.at[b],
                                      gsem.at[b]).wait()
                pltpu.async_copy(rows_v.at[b], acc_sp.at[dst_v.at[j + b]],
                                 ssem.at[b], add=True)
            for b in range(nbuf):
                @pl.when(j + nbuf + b < length)
                def _():
                    pltpu.make_async_copy(rows_v.at[b],
                                          acc_sp.at[dst_v.at[j + b]],
                                          ssem.at[b]).wait()
                    pltpu.async_copy(gs_hbm.at[src_v.at[j + nbuf + b]],
                                     rows_v.at[b], gsem.at[b])

        for b in range(nbuf):
            pltpu.make_async_copy(rows_v.at[b],
                                  acc_sp.at[dst_v.at[length - nbuf + b]],
                                  ssem.at[b]).wait()
        off += length

    plsc.subcore_barrier()

    @pl.loop(0, nz)
    def _(c):
        sl = pl.ds(sid * rows_per_tile + c * B, B)
        pltpu.sync_copy(acc_sp.at[sl], rows_v.at[0])
        pltpu.sync_copy(rows_v.at[0], acc_out.at[cid, sl])



def _dinv_bc(degp_blk):
    deg = degp_blk[0] + degp_blk[1]
    dinv = jnp.where(deg > 0, lax.rsqrt(deg), 0.0)
    ones_row = jnp.ones((1, 128), jnp.float32)
    dn = (((0,), (0,)), ((), ()))
    return jnp.concatenate(
        [lax.dot_general(dinv[s:s + 1, :], ones_row, dn,
                         preferred_element_type=jnp.float32)
         for s in range(deg.shape[0])], axis=0)


def _prep_body(xp_ref, degp_ref, w0_ref, w1_ref, wl_ref, b0_ref, b1_ref,
               gs_ref):
    wf = jnp.dot(0.5 * (w0_ref[...] + w1_ref[...]), wl_ref[...],
                 preferred_element_type=jnp.float32)
    bf = jnp.dot(0.5 * (b0_ref[...] + b1_ref[...]), wl_ref[...],
                 preferred_element_type=jnp.float32)
    g = jnp.dot(xp_ref[...], wf, preferred_element_type=jnp.float32) + bf
    gs_ref[...] = _dinv_bc(degp_ref[...]) * g


def _final_body(xp_ref, degp_ref, accp_ref, wl_ref, bl_ref, out_ref):
    y = jnp.dot(xp_ref[...], wl_ref[...], preferred_element_type=jnp.float32)
    acc = accp_ref[0] + accp_ref[1]
    z = (ALPHA * y + (1.0 - ALPHA) * (_dinv_bc(degp_ref[...]) * acc)
         + bl_ref[...])
    m = jnp.max(z, axis=1, keepdims=True)
    e = jnp.exp(z - m)
    lse = jnp.log(jnp.sum(e, axis=1, keepdims=True)) + m
    out_ref[...] = z - lse



@jax.jit
def kernel(x, edge_index, W0, b0, W1, b1, Wl, bl):
    n, d = x.shape
    e = edge_index.shape[1]
    npad = _ceil_to(n + 1, 2048)
    ea = e + n
    nbuf = 2
    ph = 56
    k = _ceil_to(-(-ea // (NW * B)), nbuf)
    epad = NW * k * B

    src = edge_index[0]
    dst = edge_index[1]
    loop = jnp.arange(n, dtype=jnp.int32)
    pad = epad - ea
    pad_src = jnp.arange(pad, dtype=jnp.int32) % n
    pad_dst = n + jnp.arange(pad, dtype=jnp.int32) % (npad - n)
    srca = jnp.concatenate([src, loop, pad_src])
    dsta = jnp.concatenate([dst, loop, pad_dst])
    srcp = srca.reshape(NW, k, B)
    dstp = dsta.reshape(NW, k, B)
    xp = jnp.pad(x, ((0, npad - n), (0, 0)))
    b0r = b0.reshape(1, d)
    b1r = b1.reshape(1, d)
    blr = bl.reshape(1, Wl.shape[1])

    mesh = plsc.VectorSubcoreMesh(core_axis_name="c", subcore_axis_name="s",
                                  num_cores=NC, num_subcores=NS)

    deg_call = pl.kernel(
        functools.partial(_deg_kernel, npad, k),
        out_type=jax.ShapeDtypeStruct((NC, npad), jnp.float32),
        mesh=mesh,
        scratch_types=[
            pltpu.VMEM_SHARED((npad,), jnp.float32),
            pltpu.VMEM((k, B), jnp.int32),
            pltpu.VMEM((B,), jnp.float32),
            pltpu.VMEM((npad // NS,), jnp.float32),
            pltpu.SemaphoreType.DMA,
        ],
    )
    degp = deg_call(dstp)

    grid = npad // ROWS
    sub = ROWS // 128
    degp3 = degp.reshape(NC, npad // 128, 128)
    gs = pl.pallas_call(
        _prep_body,
        grid=(grid,),
        in_specs=[
            pl.BlockSpec((ROWS, d), lambda i: (i, 0)),
            pl.BlockSpec((NC, sub, 128), lambda i: (0, i, 0)),
            pl.BlockSpec(W0.shape, lambda i: (0, 0)),
            pl.BlockSpec(W1.shape, lambda i: (0, 0)),
            pl.BlockSpec(Wl.shape, lambda i: (0, 0)),
            pl.BlockSpec((1, d), lambda i: (0, 0)),
            pl.BlockSpec((1, d), lambda i: (0, 0)),
        ],
        out_specs=pl.BlockSpec((ROWS, Wl.shape[1]), lambda i: (i, 0)),
        out_shape=jax.ShapeDtypeStruct((npad, Wl.shape[1]), jnp.float32),
    )(xp, degp3, W0, W1, Wl, b0r, b1r)

    scat_call = pl.kernel(
        functools.partial(_scatter_kernel, npad, k, nbuf, ph),
        out_type=jax.ShapeDtypeStruct((NC, npad, Wl.shape[1]), jnp.float32),
        mesh=mesh,
        scratch_types=[
            pltpu.VMEM_SHARED((npad, Wl.shape[1]), jnp.float32),
            pltpu.VMEM((ph, B), jnp.int32),
            pltpu.VMEM((ph, B), jnp.int32),
            pltpu.VMEM((nbuf, B, Wl.shape[1]), jnp.float32),
            pltpu.SemaphoreType.DMA((nbuf,)),
            pltpu.SemaphoreType.DMA((nbuf,)),
        ],
    )
    accp = scat_call(gs, srcp, dstp)

    outp = pl.pallas_call(
        _final_body,
        grid=(grid,),
        in_specs=[
            pl.BlockSpec((ROWS, d), lambda i: (i, 0)),
            pl.BlockSpec((NC, sub, 128), lambda i: (0, i, 0)),
            pl.BlockSpec((NC, ROWS, Wl.shape[1]), lambda i: (0, i, 0)),
            pl.BlockSpec(Wl.shape, lambda i: (0, 0)),
            pl.BlockSpec((1, Wl.shape[1]), lambda i: (0, 0)),
        ],
        out_specs=pl.BlockSpec((ROWS, Wl.shape[1]), lambda i: (i, 0)),
        out_shape=jax.ShapeDtypeStruct((npad, Wl.shape[1]), jnp.float32),
    )(xp, degp3, accp, Wl, blr)

    return outp[:n]

# --- scband reference (transcript-rebuilt; emitter-appended) ---
"""Pipeline reference for scband-simple-sgc-39135742001433 (READ-ONLY COPY).

The authoritative reference and input builder live on the scoring server;
editing this copy changes nothing except your own understanding.
"""

import jax, jax.numpy as jnp
import numpy as np

N = 10000
E = 320000
D = 128   # num_node_features
H = 128   # hidden
C = 128   # num_classes


def setup_inputs(seed: int = 0):
    key = jax.random.key(seed)
    ks = jax.random.split(key, 8)
    x = jax.random.normal(ks[0], (N, D), dtype=jnp.float32)
    edge_index = jax.random.randint(ks[1], (2, E), 0, N, dtype=jnp.int32)
    s_d = 1.0 / np.sqrt(D)
    s_h = 1.0 / np.sqrt(H)
    W0 = jax.random.normal(ks[2], (D, H), dtype=jnp.float32) * s_d
    b0 = jnp.zeros((H,), dtype=jnp.float32)
    W1 = jax.random.normal(ks[3], (H, C), dtype=jnp.float32) * s_h
    b1 = jnp.zeros((C,), dtype=jnp.float32)
    Wl = jax.random.normal(ks[4], (D, C), dtype=jnp.float32) * s_d
    bl = jnp.zeros((C,), dtype=jnp.float32)
    return {"x": x, "edge_index": edge_index, "W0": W0, "b0": b0,
            "W1": W1, "b1": b1, "Wl": Wl, "bl": bl}


def _gcn_conv(x, edge_index, W, b):
    # SimpleGCNConv: linear transform + symmetric-normalized propagation with self-loops
    n = x.shape[0]
    src = edge_index[0]
    dst = edge_index[1]
    loop = jnp.arange(n, dtype=src.dtype)
    src = jnp.concatenate([src, loop])
    dst = jnp.concatenate([dst, loop])
    deg = jax.ops.segment_sum(jnp.ones_like(dst, dtype=x.dtype), dst, num_segments=n)
    dinv = jnp.where(deg > 0, deg ** -0.5, 0.0)
    norm = dinv[src] * dinv[dst]
    h = x @ W + b
    msg = h[src] * norm[:, None]
    return jax.ops.segment_sum(msg, dst, num_segments=n)


def reference(x, edge_index, W0, b0, W1, b1, Wl, bl):
    alpha = 0.05
    # NOTE: original forward applies every conv to the ORIGINAL x (not chained)
    x0 = _gcn_conv(x, edge_index, W0, b0)
    x1 = _gcn_conv(x, edge_index, W1, b1)
    xs = jnp.mean(jnp.stack([x0, x1], axis=2), axis=2)
    xc = alpha * x + (1.0 - alpha) * xs
    out = xc @ Wl + bl
    return jax.nn.log_softmax(out, axis=1)

if __name__ == "__main__":
    import jax
    _d = setup_inputs()
    print(jax.jit(kernel)(*tuple(_d.values())))

</pallas_src>

<mosaic_0001>
#map = affine_map<(d0, d1) -> (0, 0)>
#map1 = affine_map<(d0, d1) -> (0, 0, 0)>
module attributes {stable_mosaic.version = 14 : i64} {
  func.func @_scatter_kernel(%arg0: i32, %arg1: i32, %arg2: memref<10240x128xf32, #tpu.memory_space<hbm>>, %arg3: memref<32x82x128xi32, #tpu.memory_space<hbm>>, %arg4: memref<32x82x128xi32, #tpu.memory_space<hbm>>, %arg5: memref<2x10240x128xf32, #tpu.memory_space<hbm>>, %arg6: memref<10240x128xf32, #tpu.memory_space<vmem_shared>>, %arg7: memref<56x128xi32, #tpu.memory_space<vmem>>, %arg8: memref<56x128xi32, #tpu.memory_space<vmem>>, %arg9: memref<2x128x128xf32, #tpu.memory_space<vmem>>, %arg10: memref<2x!tpu.dma_semaphore, #tpu.memory_space<semaphore_mem>>, %arg11: memref<2x!tpu.dma_semaphore, #tpu.memory_space<semaphore_mem>>) attributes {dimension_semantics = [#tpu.dimension_semantics<core_parallel>, #tpu.dimension_semantics<subcore_parallel>], iteration_bounds = array<i64: 2, 16>, scalar_prefetch = 0 : i64, scratch_operands = 6 : i64, tpu.core_type = #tpu.core_type<sc_vector_subcore>, window_params = [{transform_indices = #map}, {transform_indices = #map1}, {transform_indices = #map1}, {transform_indices = #map1}]} {
    %mul3A = arith.constant 16 : i32
    %mul3A_0 = arith.muli %arg0, %mul3A : i32
    %add3A = arith.addi %mul3A_0, %arg1 : i32
    %scan3A = arith.constant 0 : i32
    %scan3A_1 = arith.constant 128 : i32
    %scan3A_2 = arith.addi %scan3A, %scan3A_1 : i32
    %scan3A_3 = arith.constant 1 : i32
    scf.for %scan3A_144 = %scan3A to %scan3A_2 step %scan3A_3  : i32 {
      %mul3A_145 = arith.constant 1 : i32
      %mul3A_146 = arith.muli %scan3A_144, %mul3A_145 : i32
      %add3A_147 = arith.constant 0 : i32
      %add3A_148 = arith.addi %add3A_147, %mul3A_146 : i32
      %scan3A_149 = arith.constant 0 : i32
      %scan3A_150 = arith.constant 8 : i32
      %scan3A_151 = arith.addi %scan3A_149, %scan3A_150 : i32
      %scan3A_152 = arith.constant 1 : i32
      scf.for %scan3A_154 = %scan3A_149 to %scan3A_151 step %scan3A_152  : i32 {
        %mul3A_155 = arith.constant 16 : i32
        %mul3A_156 = arith.muli %scan3A_154, %mul3A_155 : i32
        %add3A_157 = arith.constant 0 : i32
        %add3A_158 = arith.addi %add3A_157, %mul3A_156 : i32
        %broadcast_in_dim3A = arith.constant 0.000000e+00 : f32
        %broadcast_in_dim3A_159 = vector.broadcast %broadcast_in_dim3A : f32 to vector<16xf32>
        %swap3A = arith.constant 0 : i32
        %swap3A_160 = arith.index_cast %swap3A : i32 to index
        %swap3A_161 = arith.index_cast %add3A_148 : i32 to index
        %swap3A_162 = arith.index_cast %add3A_158 : i32 to index
        %swap3A_163 = tpu.vector_load %arg9[%swap3A_160, %swap3A_161, %swap3A_162] {strides = array<i32>} : memref<2x128x128xf32, #tpu.memory_space<vmem>>, vector<1x1x16xf32>,
        %swap3A_164 = vector.shape_cast %swap3A_163 : vector<1x1x16xf32> to vector<16xf32>
        %swap3A_165 = vector.shape_cast %broadcast_in_dim3A_159 : vector<16xf32> to vector<1x1x16xf32>
        tpu.vector_store %arg9[%swap3A_160, %swap3A_161, %swap3A_162], %swap3A_165 {strides = array<i32>} : memref<2x128x128xf32, #tpu.memory_space<vmem>>, vector<1x1x16xf32>,
      }
      %scan3A_153 = arith.constant 8 : i32
    }
    %scan3A_4 = arith.constant 128 : i32
    %scan3A_5 = arith.constant 0 : i32
    %scan3A_6 = arith.constant 5 : i32
    %scan3A_7 = arith.addi %scan3A_5, %scan3A_6 : i32
    %scan3A_8 = arith.constant 1 : i32
    scf.for %scan3A_144 = %scan3A_5 to %scan3A_7 step %scan3A_8  : i32 {
      %mul3A_145 = arith.constant 1 : i32
      %mul3A_146 = arith.muli %scan3A_144, %mul3A_145 : i32
      %add3A_147 = arith.constant 0 : i32
      %add3A_148 = arith.addi %add3A_147, %mul3A_146 : i32
      %mul3A_149 = arith.constant 640 : i32
      %mul3A_150 = arith.muli %arg1, %mul3A_149 : i32
      %mul3A_151 = arith.constant 128 : i32
      %mul3A_152 = arith.muli %add3A_148, %mul3A_151 : i32
      %add3A_153 = arith.addi %mul3A_150, %mul3A_152 : i32
      %run_scoped3A = arith.constant 0 : i32
      "tpu.region"() ({
        %run_scoped3A_154 = tpu.sem_alloc : memref<!tpu.dma_semaphore, #tpu.memory_space<semaphore_mem>>
        %dma_start3A_155 = arith.constant 0 : i32
        %dma_start3A_156 = arith.constant 0 : i32
        %dma_start3A_157 = tpu.memref_slice %arg9[%run_scoped3A, %dma_start3A_155, %dma_start3A_156] : memref<2x128x128xf32, #tpu.memory_space<vmem>> -> memref<1x128x128xf32, #tpu.memory_space<vmem>>
        %dma_start3A_158 = tpu.memref_squeeze %dma_start3A_157 : memref<1x128x128xf32, #tpu.memory_space<vmem>> -> memref<128x128xf32, #tpu.memory_space<vmem>>
        %dma_start3A_159 = arith.constant 0 : i32
        %dma_start3A_160 = tpu.memref_slice %arg6[%add3A_153, %dma_start3A_159] : memref<10240x128xf32, #tpu.memory_space<vmem_shared>> -> memref<128x128xf32, #tpu.memory_space<vmem_shared>>
        %dma_start3A_161 = arith.constant 0 : i32
        %dma_start3A_162 = tpu.memref_slice %arg6[%add3A_153, %dma_start3A_161] : memref<10240x128xf32, #tpu.memory_space<vmem_shared>> -> memref<128x128xf32, #tpu.memory_space<vmem_shared>>
        %dma_start3A_163 = arith.constant 0 : i32
        %dma_start3A_164 = arith.constant 0 : i32
        %dma_start3A_165 = tpu.memref_slice %arg9[%run_scoped3A, %dma_start3A_163, %dma_start3A_164] : memref<2x128x128xf32, #tpu.memory_space<vmem>> -> memref<1x128x128xf32, #tpu.memory_space<vmem>>
        %dma_start3A_166 = tpu.memref_squeeze %dma_start3A_165 : memref<1x128x128xf32, #tpu.memory_space<vmem>> -> memref<128x128xf32, #tpu.memory_space<vmem>>
        tpu.enqueue_dma source(%dma_start3A_166 : memref<128x128xf32, #tpu.memory_space<vmem>>) target(%dma_start3A_162 : memref<128x128xf32, #tpu.memory_space<vmem_shared>>) target_semaphore(%run_scoped3A_154 : memref<!tpu.dma_semaphore, #tpu.memory_space<semaphore_mem>>)
        %dma_wait3A_167 = arith.constant 0 : i32
        %dma_wait3A_168 = arith.constant 0 : i32
        %dma_wait3A_169 = tpu.memref_slice %arg9[%run_scoped3A, %dma_wait3A_167, %dma_wait3A_168] : memref<2x128x128xf32, #tpu.memory_space<vmem>> -> memref<1x128x128xf32, #tpu.memory_space<vmem>>
        %dma_wait3A_170 = tpu.memref_squeeze %dma_wait3A_169 : memref<1x128x128xf32, #tpu.memory_space<vmem>> -> memref<128x128xf32, #tpu.memory_space<vmem>>
        %dma_wait3A_171 = arith.constant 0 : i32
        %dma_wait3A_172 = tpu.memref_slice %arg6[%add3A_153, %dma_wait3A_171] : memref<10240x128xf32, #tpu.memory_space<vmem_shared>> -> memref<128x128xf32, #tpu.memory_space<vmem_shared>>
        %dma_wait3A_173 = arith.constant 0 : i32
        %dma_wait3A_174 = tpu.memref_slice %arg6[%add3A_153, %dma_wait3A_173] : memref<10240x128xf32, #tpu.memory_space<vmem_shared>> -> memref<128x128xf32, #tpu.memory_space<vmem_shared>>
        %dma_wait3A_175 = arith.constant 0 : i32
        %dma_wait3A_176 = arith.constant 0 : i32
        %dma_wait3A_177 = tpu.memref_slice %arg9[%run_scoped3A, %dma_wait3A_175, %dma_wait3A_176] : memref<2x128x128xf32, #tpu.memory_space<vmem>> -> memref<1x128x128xf32, #tpu.memory_space<vmem>>
        %dma_wait3A_178 = tpu.memref_squeeze %dma_wait3A_177 : memref<1x128x128xf32, #tpu.memory_space<vmem>> -> memref<128x128xf32, #tpu.memory_space<vmem>>
        tpu.wait_dma2 semaphore(%run_scoped3A_154 : memref<!tpu.dma_semaphore, #tpu.memory_space<semaphore_mem>>) src(%dma_wait3A_178 : memref<128x128xf32, #tpu.memory_space<vmem>>) dst(%dma_wait3A_174 : memref<128x128xf32, #tpu.memory_space<vmem_shared>>)
        tpu.yield
      }) : () -> ()
    }
    %scan3A_9 = arith.constant 5 : i32
    %barrier3A = arith.constant 0 : index
    tpu.barrier barrier_id(%barrier3A)
    "tpu.region"() ({
      %run_scoped3A = tpu.sem_alloc : memref<!tpu.dma_semaphore, #tpu.memory_space<semaphore_mem>>
      %dma_start3A_144 = arith.constant 0 : i32
      %dma_start3A_145 = arith.constant 0 : i32
      %dma_start3A_146 = tpu.memref_slice %arg7[%dma_start3A_144, %dma_start3A_145] : memref<56x128xi32, #tpu.memory_space<vmem>> -> memref<56x128xi32, #tpu.memory_space<vmem>>
      %dma_start3A_147 = arith.constant 0 : i32
      %dma_start3A_148 = arith.constant 0 : i32
      %dma_start3A_149 = tpu.memref_slice %arg3[%add3A, %dma_start3A_147, %dma_start3A_148] : memref<32x82x128xi32, #tpu.memory_space<hbm>> -> memref<1x56x128xi32, #tpu.memory_space<hbm>>
      %dma_start3A_150 = tpu.memref_squeeze %dma_start3A_149 : memref<1x56x128xi32, #tpu.memory_space<hbm>> -> memref<56x128xi32, #tpu.memory_space<hbm>>
      %dma_start3A_151 = arith.constant 0 : i32
      %dma_start3A_152 = arith.constant 0 : i32
      %dma_start3A_153 = tpu.memref_slice %arg7[%dma_start3A_151, %dma_start3A_152] : memref<56x128xi32, #tpu.memory_space<vmem>> -> memref<56x128xi32, #tpu.memory_space<vmem>>
      %dma_start3A_154 = arith.constant 0 : i32
      %dma_start3A_155 = arith.constant 0 : i32
      %dma_start3A_156 = tpu.memref_slice %arg3[%add3A, %dma_start3A_154, %dma_start3A_155] : memref<32x82x128xi32, #tpu.memory_space<hbm>> -> memref<1x56x128xi32, #tpu.memory_space<hbm>>
      %dma_start3A_157 = tpu.memref_squeeze %dma_start3A_156 : memref<1x56x128xi32, #tpu.memory_space<hbm>> -> memref<56x128xi32, #tpu.memory_space<hbm>>
      tpu.enqueue_dma source(%dma_start3A_157 : memref<56x128xi32, #tpu.memory_space<hbm>>) target(%dma_start3A_153 : memref<56x128xi32, #tpu.memory_space<vmem>>) target_semaphore(%run_scoped3A : memref<!tpu.dma_semaphore, #tpu.memory_space<semaphore_mem>>)
      %dma_wait3A_158 = arith.constant 0 : i32
      %dma_wait3A_159 = arith.constant 0 : i32
      %dma_wait3A_160 = tpu.memref_slice %arg7[%dma_wait3A_158, %dma_wait3A_159] : memref<56x128xi32, #tpu.memory_space<vmem>> -> memref<56x128xi32, #tpu.memory_space<vmem>>
      %dma_wait3A_161 = arith.constant 0 : i32
      %dma_wait3A_162 = arith.constant 0 : i32
      %dma_wait3A_163 = tpu.memref_slice %arg3[%add3A, %dma_wait3A_161, %dma_wait3A_162] : memref<32x82x128xi32, #tpu.memory_space<hbm>> -> memref<1x56x128xi32, #tpu.memory_space<hbm>>
      %dma_wait3A_164 = tpu.memref_squeeze %dma_wait3A_163 : memref<1x56x128xi32, #tpu.memory_space<hbm>> -> memref<56x128xi32, #tpu.memory_space<hbm>>
      %dma_wait3A_165 = arith.constant 0 : i32
      %dma_wait3A_166 = arith.constant 0 : i32
      %dma_wait3A_167 = tpu.memref_slice %arg7[%dma_wait3A_165, %dma_wait3A_166] : memref<56x128xi32, #tpu.memory_space<vmem>> -> memref<56x128xi32, #tpu.memory_space<vmem>>
      %dma_wait3A_168 = arith.constant 0 : i32
      %dma_wait3A_169 = arith.constant 0 : i32
      %dma_wait3A_170 = tpu.memref_slice %arg3[%add3A, %dma_wait3A_168, %dma_wait3A_169] : memref<32x82x128xi32, #tpu.memory_space<hbm>> -> memref<1x56x128xi32, #tpu.memory_space<hbm>>
      %dma_wait3A_171 = tpu.memref_squeeze %dma_wait3A_170 : memref<1x56x128xi32, #tpu.memory_space<hbm>> -> memref<56x128xi32, #tpu.memory_space<hbm>>
      tpu.wait_dma2 semaphore(%run_scoped3A : memref<!tpu.dma_semaphore, #tpu.memory_space<semaphore_mem>>) src(%dma_wait3A_171 : memref<56x128xi32, #tpu.memory_space<hbm>>) dst(%dma_wait3A_167 : memref<56x128xi32, #tpu.memory_space<vmem>>)
      tpu.yield
    }) : () -> ()
    "tpu.region"() ({
      %run_scoped3A = tpu.sem_alloc : memref<!tpu.dma_semaphore, #tpu.memory_space<semaphore_mem>>
      %dma_start3A_144 = arith.constant 0 : i32
      %dma_start3A_145 = arith.constant 0 : i32
      %dma_start3A_146 = tpu.memref_slice %arg8[%dma_start3A_144, %dma_start3A_145] : memref<56x128xi32, #tpu.memory_space<vmem>> -> memref<56x128xi32, #tpu.memory_space<vmem>>
      %dma_start3A_147 = arith.constant 0 : i32
      %dma_start3A_148 = arith.constant 0 : i32
      %dma_start3A_149 = tpu.memref_slice %arg4[%add3A, %dma_start3A_147, %dma_start3A_148] : memref<32x82x128xi32, #tpu.memory_space<hbm>> -> memref<1x56x128xi32, #tpu.memory_space<hbm>>
      %dma_start3A_150 = tpu.memref_squeeze %dma_start3A_149 : memref<1x56x128xi32, #tpu.memory_space<hbm>> -> memref<56x128xi32, #tpu.memory_space<hbm>>
      %dma_start3A_151 = arith.constant 0 : i32
      %dma_start3A_152 = arith.constant 0 : i32
      %dma_start3A_153 = tpu.memref_slice %arg8[%dma_start3A_151, %dma_start3A_152] : memref<56x128xi32, #tpu.memory_space<vmem>> -> memref<56x128xi32, #tpu.memory_space<vmem>>
      %dma_start3A_154 = arith.constant 0 : i32
      %dma_start3A_155 = arith.constant 0 : i32
      %dma_start3A_156 = tpu.memref_slice %arg4[%add3A, %dma_start3A_154, %dma_start3A_155] : memref<32x82x128xi32, #tpu.memory_space<hbm>> -> memref<1x56x128xi32, #tpu.memory_space<hbm>>
      %dma_start3A_157 = tpu.memref_squeeze %dma_start3A_156 : memref<1x56x128xi32, #tpu.memory_space<hbm>> -> memref<56x128xi32, #tpu.memory_space<hbm>>
      tpu.enqueue_dma source(%dma_start3A_157 : memref<56x128xi32, #tpu.memory_space<hbm>>) target(%dma_start3A_153 : memref<56x128xi32, #tpu.memory_space<vmem>>) target_semaphore(%run_scoped3A : memref<!tpu.dma_semaphore, #tpu.memory_space<semaphore_mem>>)
      %dma_wait3A_158 = arith.constant 0 : i32
      %dma_wait3A_159 = arith.constant 0 : i32
      %dma_wait3A_160 = tpu.memref_slice %arg8[%dma_wait3A_158, %dma_wait3A_159] : memref<56x128xi32, #tpu.memory_space<vmem>> -> memref<56x128xi32, #tpu.memory_space<vmem>>
      %dma_wait3A_161 = arith.constant 0 : i32
      %dma_wait3A_162 = arith.constant 0 : i32
      %dma_wait3A_163 = tpu.memref_slice %arg4[%add3A, %dma_wait3A_161, %dma_wait3A_162] : memref<32x82x128xi32, #tpu.memory_space<hbm>> -> memref<1x56x128xi32, #tpu.memory_space<hbm>>
      %dma_wait3A_164 = tpu.memref_squeeze %dma_wait3A_163 : memref<1x56x128xi32, #tpu.memory_space<hbm>> -> memref<56x128xi32, #tpu.memory_space<hbm>>
      %dma_wait3A_165 = arith.constant 0 : i32
      %dma_wait3A_166 = arith.constant 0 : i32
      %dma_wait3A_167 = tpu.memref_slice %arg8[%dma_wait3A_165, %dma_wait3A_166] : memref<56x128xi32, #tpu.memory_space<vmem>> -> memref<56x128xi32, #tpu.memory_space<vmem>>
      %dma_wait3A_168 = arith.constant 0 : i32
      %dma_wait3A_169 = arith.constant 0 : i32
      %dma_wait3A_170 = tpu.memref_slice %arg4[%add3A, %dma_wait3A_168, %dma_wait3A_169] : memref<32x82x128xi32, #tpu.memory_space<hbm>> -> memref<1x56x128xi32, #tpu.memory_space<hbm>>
      %dma_wait3A_171 = tpu.memref_squeeze %dma_wait3A_170 : memref<1x56x128xi32, #tpu.memory_space<hbm>> -> memref<56x128xi32, #tpu.memory_space<hbm>>
      tpu.wait_dma2 semaphore(%run_scoped3A : memref<!tpu.dma_semaphore, #tpu.memory_space<semaphore_mem>>) src(%dma_wait3A_171 : memref<56x128xi32, #tpu.memory_space<hbm>>) dst(%dma_wait3A_167 : memref<56x128xi32, #tpu.memory_space<vmem>>)
      tpu.yield
    }) : () -> ()
    %dma_start3A = arith.constant 0 : i32
    %dma_start3A_10 = arith.constant 0 : i32
    %dma_start3A_11 = arith.constant 0 : i32
    %dma_start3A_12 = arith.constant 0 : i32
    %dma_start3A_13 = arith.constant 0 : i32
    %dma_start3A_14 = tpu.memref_slice %arg9[%dma_start3A_10, %dma_start3A_12, %dma_start3A_13] : memref<2x128x128xf32, #tpu.memory_space<vmem>> -> memref<1x128x128xf32, #tpu.memory_space<vmem>>
    %dma_start3A_15 = tpu.memref_squeeze %dma_start3A_14 : memref<1x128x128xf32, #tpu.memory_space<vmem>> -> memref<128x128xf32, #tpu.memory_space<vmem>>
    %dma_start3A_16 = arith.constant 0 : i32
    %dma_start3A_17 = tpu.memref_slice %arg7[%dma_start3A, %dma_start3A_16] : memref<56x128xi32, #tpu.memory_space<vmem>> -> memref<1x128xi32, #tpu.memory_space<vmem>>
    %dma_start3A_18 = tpu.memref_squeeze %dma_start3A_17 : memref<1x128xi32, #tpu.memory_space<vmem>> -> memref<128xi32, #tpu.memory_space<vmem>>
    %dma_start3A_19 = arith.constant 0 : i32
    %dma_start3A_20 = arith.constant 0 : i32
    %dma_start3A_21 = tpu.memref_slice %arg2[%dma_start3A_19, %dma_start3A_20] : memref<10240x128xf32, #tpu.memory_space<hbm>> -> memref<10240x128xf32, #tpu.memory_space<hbm>>
    %dma_start3A_22 = tpu.memref_slice %arg10[%dma_start3A_11] : memref<2x!tpu.dma_semaphore, #tpu.memory_space<semaphore_mem>> -> memref<1x!tpu.dma_semaphore, #tpu.memory_space<semaphore_mem>>
    %dma_start3A_23 = tpu.memref_squeeze %dma_start3A_22 : memref<1x!tpu.dma_semaphore, #tpu.memory_space<semaphore_mem>> -> memref<!tpu.dma_semaphore, #tpu.memory_space<semaphore_mem>>
    tpu.enqueue_indirect_dma source(%dma_start3A_21 : memref<10240x128xf32, #tpu.memory_space<hbm>>) target(%dma_start3A_15 : memref<128x128xf32, #tpu.memory_space<vmem>>) offsets(%dma_start3A_18 : memref<128xi32, #tpu.memory_space<vmem>>) semaphore(%dma_start3A_23 : memref<!tpu.dma_semaphore, #tpu.memory_space<semaphore_mem>>)
    %dma_start3A_24 = arith.constant 1 : i32
    %dma_start3A_25 = arith.constant 1 : i32
    %dma_start3A_26 = arith.constant 1 : i32
    %dma_start3A_27 = arith.constant 0 : i32
    %dma_start3A_28 = arith.constant 0 : i32
    %dma_start3A_29 = tpu.memref_slice %arg9[%dma_start3A_25, %dma_start3A_27, %dma_start3A_28] : memref<2x128x128xf32, #tpu.memory_space<vmem>> -> memref<1x128x128xf32, #tpu.memory_space<vmem>>
    %dma_start3A_30 = tpu.memref_squeeze %dma_start3A_29 : memref<1x128x128xf32, #tpu.memory_space<vmem>> -> memref<128x128xf32, #tpu.memory_space<vmem>>
    %dma_start3A_31 = arith.constant 0 : i32
    %dma_start3A_32 = tpu.memref_slice %arg7[%dma_start3A_24, %dma_start3A_31] : memref<56x128xi32, #tpu.memory_space<vmem>> -> memref<1x128xi32, #tpu.memory_space<vmem>>
    %dma_start3A_33 = tpu.memref_squeeze %dma_start3A_32 : memref<1x128xi32, #tpu.memory_space<vmem>> -> memref<128xi32, #tpu.memory_space<vmem>>
    %dma_start3A_34 = arith.constant 0 : i32
    %dma_start3A_35 = arith.constant 0 : i32
    %dma_start3A_36 = tpu.memref_slice %arg2[%dma_start3A_34, %dma_start3A_35] : memref<10240x128xf32, #tpu.memory_space<hbm>> -> memref<10240x128xf32, #tpu.memory_space<hbm>>
    %dma_start3A_37 = tpu.memref_slice %arg10[%dma_start3A_26] : memref<2x!tpu.dma_semaphore, #tpu.memory_space<semaphore_mem>> -> memref<1x!tpu.dma_semaphore, #tpu.memory_space<semaphore_mem>>
    %dma_start3A_38 = tpu.memref_squeeze %dma_start3A_37 : memref<1x!tpu.dma_semaphore, #tpu.memory_space<semaphore_mem>> -> memref<!tpu.dma_semaphore, #tpu.memory_space<semaphore_mem>>
    tpu.enqueue_indirect_dma source(%dma_start3A_36 : memref<10240x128xf32, #tpu.memory_space<hbm>>) target(%dma_start3A_30 : memref<128x128xf32, #tpu.memory_space<vmem>>) offsets(%dma_start3A_33 : memref<128xi32, #tpu.memory_space<vmem>>) semaphore(%dma_start3A_38 : memref<!tpu.dma_semaphore, #tpu.memory_space<semaphore_mem>>)
    %scan3A_39 = arith.constant 0 : i32
    %scan3A_40 = arith.constant 28 : i32
    %scan3A_41 = arith.addi %scan3A_39, %scan3A_40 : i32
    %scan3A_42 = arith.constant 1 : i32
    scf.for %scan3A_144 = %scan3A_39 to %scan3A_41 step %scan3A_42  : i32 {
      %mul3A_145 = arith.constant 2 : i32
      %mul3A_146 = arith.muli %scan3A_144, %mul3A_145 : i32
      %add3A_147 = arith.constant 0 : i32
      %add3A_148 = arith.addi %add3A_147, %mul3A_146 : i32
      %add3A_149 = arith.constant 0 : i32
      %add3A_150 = arith.addi %add3A_148, %add3A_149 : i32
      %dma_wait3A_151 = arith.constant 0 : i32
      %dma_wait3A_152 = arith.constant 0 : i32
      %dma_wait3A_153 = arith.constant 0 : i32
      %dma_wait3A_154 = arith.constant 0 : i32
      %dma_wait3A_155 = tpu.memref_slice %arg9[%dma_wait3A_151, %dma_wait3A_153, %dma_wait3A_154] : memref<2x128x128xf32, #tpu.memory_space<vmem>> -> memref<1x128x128xf32, #tpu.memory_space<vmem>>
      %dma_wait3A_156 = tpu.memref_squeeze %dma_wait3A_155 : memref<1x128x128xf32, #tpu.memory_space<vmem>> -> memref<128x128xf32, #tpu.memory_space<vmem>>
      %dma_wait3A_157 = arith.constant 0 : i32
      %dma_wait3A_158 = tpu.memref_slice %arg7[%add3A_150, %dma_wait3A_157] : memref<56x128xi32, #tpu.memory_space<vmem>> -> memref<1x128xi32, #tpu.memory_space<vmem>>
      %dma_wait3A_159 = tpu.memref_squeeze %dma_wait3A_158 : memref<1x128xi32, #tpu.memory_space<vmem>> -> memref<128xi32, #tpu.memory_space<vmem>>
      %dma_wait3A_160 = arith.constant 0 : i32
      %dma_wait3A_161 = arith.constant 0 : i32
      %dma_wait3A_162 = tpu.memref_slice %arg2[%dma_wait3A_160, %dma_wait3A_161] : memref<10240x128xf32, #tpu.memory_space<hbm>> -> memref<10240x128xf32, #tpu.memory_space<hbm>>
      %dma_wait3A_163 = tpu.memref_slice %arg10[%dma_wait3A_152] : memref<2x!tpu.dma_semaphore, #tpu.memory_space<semaphore_mem>> -> memref<1x!tpu.dma_semaphore, #tpu.memory_space<semaphore_mem>>
      %dma_wait3A_164 = tpu.memref_squeeze %dma_wait3A_163 : memref<1x!tpu.dma_semaphore, #tpu.memory_space<semaphore_mem>> -> memref<!tpu.dma_semaphore, #tpu.memory_space<semaphore_mem>>
      tpu.wait_indirect_dma semaphore(%dma_wait3A_164 : memref<!tpu.dma_semaphore, #tpu.memory_space<semaphore_mem>>) src(%dma_wait3A_162 : memref<10240x128xf32, #tpu.memory_space<hbm>>) dst(%dma_wait3A_156 : memref<128x128xf32, #tpu.memory_space<vmem>>)
      %add3A_165 = arith.constant 0 : i32
      %add3A_166 = arith.addi %add3A_148, %add3A_165 : i32
      %dma_start3A_167 = arith.constant 0 : i32
      %dma_start3A_168 = arith.constant 0 : i32
      %dma_start3A_169 = arith.constant 0 : i32
      %dma_start3A_170 = arith.constant 0 : i32
      %dma_start3A_171 = tpu.memref_slice %arg9[%dma_start3A_167, %dma_start3A_169, %dma_start3A_170] : memref<2x128x128xf32, #tpu.memory_space<vmem>> -> memref<1x128x128xf32, #tpu.memory_space<vmem>>
      %dma_start3A_172 = tpu.memref_squeeze %dma_start3A_171 : memref<1x128x128xf32, #tpu.memory_space<vmem>> -> memref<128x128xf32, #tpu.memory_space<vmem>>
      %dma_start3A_173 = arith.constant 0 : i32
      %dma_start3A_174 = tpu.memref_slice %arg8[%add3A_166, %dma_start3A_173] : memref<56x128xi32, #tpu.memory_space<vmem>> -> memref<1x128xi32, #tpu.memory_space<vmem>>
      %dma_start3A_175 = tpu.memref_squeeze %dma_start3A_174 : memref<1x128xi32, #tpu.memory_space<vmem>> -> memref<128xi32, #tpu.memory_space<vmem>>
      %dma_start3A_176 = arith.constant 0 : i32
      %dma_start3A_177 = arith.constant 0 : i32
      %dma_start3A_178 = tpu.memref_slice %arg6[%dma_start3A_176, %dma_start3A_177] : memref<10240x128xf32, #tpu.memory_space<vmem_shared>> -> memref<10240x128xf32, #tpu.memory_space<vmem_shared>>
      %dma_start3A_179 = tpu.memref_slice %arg11[%dma_start3A_168] : memref<2x!tpu.dma_semaphore, #tpu.memory_space<semaphore_mem>> -> memref<1x!tpu.dma_semaphore, #tpu.memory_space<semaphore_mem>>
      %dma_start3A_180 = tpu.memref_squeeze %dma_start3A_179 : memref<1x!tpu.dma_semaphore, #tpu.memory_space<semaphore_mem>> -> memref<!tpu.dma_semaphore, #tpu.memory_space<semaphore_mem>>
      tpu.enqueue_indirect_dma source(%dma_start3A_172 : memref<128x128xf32, #tpu.memory_space<vmem>>) target(%dma_start3A_178 : memref<10240x128xf32, #tpu.memory_space<vmem_shared>>) offsets(%dma_start3A_175 : memref<128xi32, #tpu.memory_space<vmem>>) semaphore(%dma_start3A_180 : memref<!tpu.dma_semaphore, #tpu.memory_space<semaphore_mem>>) {add = true}
      %add3A_181 = arith.constant 1 : i32
      %add3A_182 = arith.addi %add3A_148, %add3A_181 : i32
      %dma_wait3A_183 = arith.constant 1 : i32
      %dma_wait3A_184 = arith.constant 1 : i32
      %dma_wait3A_185 = arith.constant 0 : i32
      %dma_wait3A_186 = arith.constant 0 : i32
      %dma_wait3A_187 = tpu.memref_slice %arg9[%dma_wait3A_183, %dma_wait3A_185, %dma_wait3A_186] : memref<2x128x128xf32, #tpu.memory_space<vmem>> -> memref<1x128x128xf32, #tpu.memory_space<vmem>>
      %dma_wait3A_188 = tpu.memref_squeeze %dma_wait3A_187 : memref<1x128x128xf32, #tpu.memory_space<vmem>> -> memref<128x128xf32, #tpu.memory_space<vmem>>
      %dma_wait3A_189 = arith.constant 0 : i32
      %dma_wait3A_190 = tpu.memref_slice %arg7[%add3A_182, %dma_wait3A_189] : memref<56x128xi32, #tpu.memory_space<vmem>> -> memref<1x128xi32, #tpu.memory_space<vmem>>
      %dma_wait3A_191 = tpu.memref_squeeze %dma_wait3A_190 : memref<1x128xi32, #tpu.memory_space<vmem>> -> memref<128xi32, #tpu.memory_space<vmem>>
      %dma_wait3A_192 = arith.constant 0 : i32
      %dma_wait3A_193 = arith.constant 0 : i32
      %dma_wait3A_194 = tpu.memref_slice %arg2[%dma_wait3A_192, %dma_wait3A_193] : memref<10240x128xf32, #tpu.memory_space<hbm>> -> memref<10240x128xf32, #tpu.memory_space<hbm>>
      %dma_wait3A_195 = tpu.memref_slice %arg10[%dma_wait3A_184] : memref<2x!tpu.dma_semaphore, #tpu.memory_space<semaphore_mem>> -> memref<1x!tpu.dma_semaphore, #tpu.memory_space<semaphore_mem>>
      %dma_wait3A_196 = tpu.memref_squeeze %dma_wait3A_195 : memref<1x!tpu.dma_semaphore, #tpu.memory_space<semaphore_mem>> -> memref<!tpu.dma_semaphore, #tpu.memory_space<semaphore_mem>>
      tpu.wait_indirect_dma semaphore(%dma_wait3A_196 : memref<!tpu.dma_semaphore, #tpu.memory_space<semaphore_mem>>) src(%dma_wait3A_194 : memref<10240x128xf32, #tpu.memory_space<hbm>>) dst(%dma_wait3A_188 : memref<128x128xf32, #tpu.memory_space<vmem>>)
      %add3A_197 = arith.constant 1 : i32
      %add3A_198 = arith.addi %add3A_148, %add3A_197 : i32
      %dma_start3A_199 = arith.constant 1 : i32
      %dma_start3A_200 = arith.constant 1 : i32
      %dma_start3A_201 = arith.constant 0 : i32
      %dma_start3A_202 = arith.constant 0 : i32
      %dma_start3A_203 = tpu.memref_slice %arg9[%dma_start3A_199, %dma_start3A_201, %dma_start3A_202] : memref<2x128x128xf32, #tpu.memory_space<vmem>> -> memref<1x128x128xf32, #tpu.memory_space<vmem>>
      %dma_start3A_204 = tpu.memref_squeeze %dma_start3A_203 : memref<1x128x128xf32, #tpu.memory_space<vmem>> -> memref<128x128xf32, #tpu.memory_space<vmem>>
      %dma_start3A_205 = arith.constant 0 : i32
      %dma_start3A_206 = tpu.memref_slice %arg8[%add3A_198, %dma_start3A_205] : memref<56x128xi32, #tpu.memory_space<vmem>> -> memref<1x128xi32, #tpu.memory_space<vmem>>
      %dma_start3A_207 = tpu.memref_squeeze %dma_start3A_206 : memref<1x128xi32, #tpu.memory_space<vmem>> -> memref<128xi32, #tpu.memory_space<vmem>>
      %dma_start3A_208 = arith.constant 0 : i32
      %dma_start3A_209 = arith.constant 0 : i32
      %dma_start3A_210 = tpu.memref_slice %arg6[%dma_start3A_208, %dma_start3A_209] : memref<10240x128xf32, #tpu.memory_space<vmem_shared>> -> memref<10240x128xf32, #tpu.memory_space<vmem_shared>>
      %dma_start3A_211 = tpu.memref_slice %arg11[%dma_start3A_200] : memref<2x!tpu.dma_semaphore, #tpu.memory_space<semaphore_mem>> -> memref<1x!tpu.dma_semaphore, #tpu.memory_space<semaphore_mem>>
      %dma_start3A_212 = tpu.memref_squeeze %dma_start3A_211 : memref<1x!tpu.dma_semaphore, #tpu.memory_space<semaphore_mem>> -> memref<!tpu.dma_semaphore, #tpu.memory_space<semaphore_mem>>
      tpu.enqueue_indirect_dma source(%dma_start3A_204 : memref<128x128xf32, #tpu.memory_space<vmem>>) target(%dma_start3A_210 : memref<10240x128xf32, #tpu.memory_space<vmem_shared>>) offsets(%dma_start3A_207 : memref<128xi32, #tpu.memory_space<vmem>>) semaphore(%dma_start3A_212 : memref<!tpu.dma_semaphore, #tpu.memory_space<semaphore_mem>>) {add = true}
      %add3A_213 = arith.constant 2 : i32
      %add3A_214 = arith.addi %add3A_148, %add3A_213 : i32
      %add3A_215 = arith.constant 0 : i32
      %add3A_216 = arith.addi %add3A_214, %add3A_215 : i32
      %lt3A = arith.constant 56 : i32
      %lt3A_217 = arith.cmpi slt, %add3A_216, %lt3A : i32
      %convert_element_type3A = arith.extui %lt3A_217 : i1 to i32
      %cond3A = arith.constant 0 : i32
      %cond3A_218 = arith.cmpi ne, %convert_element_type3A, %cond3A : i32
      scf.if %cond3A_218 {
        %add3A_228 = arith.constant 0 : i32
        %add3A_229 = arith.addi %add3A_148, %add3A_228 : i32
        %dma_wait3A_230 = arith.constant 0 : i32
        %dma_wait3A_231 = arith.constant 0 : i32
        %dma_wait3A_232 = arith.constant 0 : i32
        %dma_wait3A_233 = arith.constant 0 : i32
        %dma_wait3A_234 = tpu.memref_slice %arg9[%dma_wait3A_230, %dma_wait3A_232, %dma_wait3A_233] : memref<2x128x128xf32, #tpu.memory_space<vmem>> -> memref<1x128x128xf32, #tpu.memory_space<vmem>>
        %dma_wait3A_235 = tpu.memref_squeeze %dma_wait3A_234 : memref<1x128x128xf32, #tpu.memory_space<vmem>> -> memref<128x128xf32, #tpu.memory_space<vmem>>
        %dma_wait3A_236 = arith.constant 0 : i32
        %dma_wait3A_237 = tpu.memref_slice %arg8[%add3A_229, %dma_wait3A_236] : memref<56x128xi32, #tpu.memory_space<vmem>> -> memref<1x128xi32, #tpu.memory_space<vmem>>
        %dma_wait3A_238 = tpu.memref_squeeze %dma_wait3A_237 : memref<1x128xi32, #tpu.memory_space<vmem>> -> memref<128xi32, #tpu.memory_space<vmem>>
        %dma_wait3A_239 = arith.constant 0 : i32
        %dma_wait3A_240 = arith.constant 0 : i32
        %dma_wait3A_241 = tpu.memref_slice %arg6[%dma_wait3A_239, %dma_wait3A_240] : memref<10240x128xf32, #tpu.memory_space<vmem_shared>> -> memref<10240x128xf32, #tpu.memory_space<vmem_shared>>
        %dma_wait3A_242 = tpu.memref_slice %arg11[%dma_wait3A_231] : memref<2x!tpu.dma_semaphore, #tpu.memory_space<semaphore_mem>> -> memref<1x!tpu.dma_semaphore, #tpu.memory_space<semaphore_mem>>
        %dma_wait3A_243 = tpu.memref_squeeze %dma_wait3A_242 : memref<1x!tpu.dma_semaphore, #tpu.memory_space<semaphore_mem>> -> memref<!tpu.dma_semaphore, #tpu.memory_space<semaphore_mem>>
        tpu.wait_indirect_dma semaphore(%dma_wait3A_243 : memref<!tpu.dma_semaphore, #tpu.memory_space<semaphore_mem>>) src(%dma_wait3A_235 : memref<128x128xf32, #tpu.memory_space<vmem>>) dst(%dma_wait3A_241 : memref<10240x128xf32, #tpu.memory_space<vmem_shared>>)
        %add3A_244 = arith.constant 2 : i32
        %add3A_245 = arith.addi %add3A_148, %add3A_244 : i32
        %add3A_246 = arith.constant 0 : i32
        %add3A_247 = arith.addi %add3A_245, %add3A_246 : i32
        %dma_start3A_248 = arith.constant 0 : i32
        %dma_start3A_249 = arith.constant 0 : i32
        %dma_start3A_250 = arith.constant 0 : i32
        %dma_start3A_251 = arith.constant 0 : i32
        %dma_start3A_252 = tpu.memref_slice %arg9[%dma_start3A_248, %dma_start3A_250, %dma_start3A_251] : memref<2x128x128xf32, #tpu.memory_space<vmem>> -> memref<1x128x128xf32, #tpu.memory_space<vmem>>
        %dma_start3A_253 = tpu.memref_squeeze %dma_start3A_252 : memref<1x128x128xf32, #tpu.memory_space<vmem>> -> memref<128x128xf32, #tpu.memory_space<vmem>>
        %dma_start3A_254 = arith.constant 0 : i32
        %dma_start3A_255 = tpu.memref_slice %arg7[%add3A_247, %dma_start3A_254] : memref<56x128xi32, #tpu.memory_space<vmem>> -> memref<1x128xi32, #tpu.memory_space<vmem>>
        %dma_start3A_256 = tpu.memref_squeeze %dma_start3A_255 : memref<1x128xi32, #tpu.memory_space<vmem>> -> memref<128xi32, #tpu.memory_space<vmem>>
        %dma_start3A_257 = arith.constant 0 : i32
        %dma_start3A_258 = arith.constant 0 : i32
        %dma_start3A_259 = tpu.memref_slice %arg2[%dma_start3A_257, %dma_start3A_258] : memref<10240x128xf32, #tpu.memory_space<hbm>> -> memref<10240x128xf32, #tpu.memory_space<hbm>>
        %dma_start3A_260 = tpu.memref_slice %arg10[%dma_start3A_249] : memref<2x!tpu.dma_semaphore, #tpu.memory_space<semaphore_mem>> -> memref<1x!tpu.dma_semaphore, #tpu.memory_space<semaphore_mem>>
        %dma_start3A_261 = tpu.memref_squeeze %dma_start3A_260 : memref<1x!tpu.dma_semaphore, #tpu.memory_space<semaphore_mem>> -> memref<!tpu.dma_semaphore, #tpu.memory_space<semaphore_mem>>
        tpu.enqueue_indirect_dma source(%dma_start3A_259 : memref<10240x128xf32, #tpu.memory_space<hbm>>) target(%dma_start3A_253 : memref<128x128xf32, #tpu.memory_space<vmem>>) offsets(%dma_start3A_256 : memref<128xi32, #tpu.memory_space<vmem>>) semaphore(%dma_start3A_261 : memref<!tpu.dma_semaphore, #tpu.memory_space<semaphore_mem>>)
      } else {
      }
      %add3A_219 = arith.constant 2 : i32
      %add3A_220 = arith.addi %add3A_148, %add3A_219 : i32
      %add3A_221 = arith.constant 1 : i32
      %add3A_222 = arith.addi %add3A_220, %add3A_221 : i32
      %lt3A_223 = arith.constant 56 : i32
      %lt3A_224 = arith.cmpi slt, %add3A_222, %lt3A_223 : i32
      %convert_element_type3A_225 = arith.extui %lt3A_224 : i1 to i32
      %cond3A_226 = arith.constant 0 : i32
      %cond3A_227 = arith.cmpi ne, %convert_element_type3A_225, %cond3A_226 : i32
      scf.if %cond3A_227 {
        %add3A_228 = arith.constant 1 : i32
        %add3A_229 = arith.addi %add3A_148, %add3A_228 : i32
        %dma_wait3A_230 = arith.constant 1 : i32
        %dma_wait3A_231 = arith.constant 1 : i32
        %dma_wait3A_232 = arith.constant 0 : i32
        %dma_wait3A_233 = arith.constant 0 : i32
        %dma_wait3A_234 = tpu.memref_slice %arg9[%dma_wait3A_230, %dma_wait3A_232, %dma_wait3A_233] : memref<2x128x128xf32, #tpu.memory_space<vmem>> -> memref<1x128x128xf32, #tpu.memory_space<vmem>>
        %dma_wait3A_235 = tpu.memref_squeeze %dma_wait3A_234 : memref<1x128x128xf32, #tpu.memory_space<vmem>> -> memref<128x128xf32, #tpu.memory_space<vmem>>
        %dma_wait3A_236 = arith.constant 0 : i32
        %dma_wait3A_237 = tpu.memref_slice %arg8[%add3A_229, %dma_wait3A_236] : memref<56x128xi32, #tpu.memory_space<vmem>> -> memref<1x128xi32, #tpu.memory_space<vmem>>
        %dma_wait3A_238 = tpu.memref_squeeze %dma_wait3A_237 : memref<1x128xi32, #tpu.memory_space<vmem>> -> memref<128xi32, #tpu.memory_space<vmem>>
        %dma_wait3A_239 = arith.constant 0 : i32
        %dma_wait3A_240 = arith.constant 0 : i32
        %dma_wait3A_241 = tpu.memref_slice %arg6[%dma_wait3A_239, %dma_wait3A_240] : memref<10240x128xf32, #tpu.memory_space<vmem_shared>> -> memref<10240x128xf32, #tpu.memory_space<vmem_shared>>
        %dma_wait3A_242 = tpu.memref_slice %arg11[%dma_wait3A_231] : memref<2x!tpu.dma_semaphore, #tpu.memory_space<semaphore_mem>> -> memref<1x!tpu.dma_semaphore, #tpu.memory_space<semaphore_mem>>
        %dma_wait3A_243 = tpu.memref_squeeze %dma_wait3A_242 : memref<1x!tpu.dma_semaphore, #tpu.memory_space<semaphore_mem>> -> memref<!tpu.dma_semaphore, #tpu.memory_space<semaphore_mem>>
        tpu.wait_indirect_dma semaphore(%dma_wait3A_243 : memref<!tpu.dma_semaphore, #tpu.memory_space<semaphore_mem>>) src(%dma_wait3A_235 : memref<128x128xf32, #tpu.memory_space<vmem>>) dst(%dma_wait3A_241 : memref<10240x128xf32, #tpu.memory_space<vmem_shared>>)
        %add3A_244 = arith.constant 2 : i32
        %add3A_245 = arith.addi %add3A_148, %add3A_244 : i32
        %add3A_246 = arith.constant 1 : i32
        %add3A_247 = arith.addi %add3A_245, %add3A_246 : i32
        %dma_start3A_248 = arith.constant 1 : i32
        %dma_start3A_249 = arith.constant 1 : i32
        %dma_start3A_250 = arith.constant 0 : i32
        %dma_start3A_251 = arith.constant 0 : i32
        %dma_start3A_252 = tpu.memref_slice %arg9[%dma_start3A_248, %dma_start3A_250, %dma_start3A_251] : memref<2x128x128xf32, #tpu.memory_space<vmem>> -> memref<1x128x128xf32, #tpu.memory_space<vmem>>
        %dma_start3A_253 = tpu.memref_squeeze %dma_start3A_252 : memref<1x128x128xf32, #tpu.memory_space<vmem>> -> memref<128x128xf32, #tpu.memory_space<vmem>>
        %dma_start3A_254 = arith.constant 0 : i32
        %dma_start3A_255 = tpu.memref_slice %arg7[%add3A_247, %dma_start3A_254] : memref<56x128xi32, #tpu.memory_space<vmem>> -> memref<1x128xi32, #tpu.memory_space<vmem>>
        %dma_start3A_256 = tpu.memref_squeeze %dma_start3A_255 : memref<1x128xi32, #tpu.memory_space<vmem>> -> memref<128xi32, #tpu.memory_space<vmem>>
        %dma_start3A_257 = arith.constant 0 : i32
        %dma_start3A_258 = arith.constant 0 : i32
        %dma_start3A_259 = tpu.memref_slice %arg2[%dma_start3A_257, %dma_start3A_258] : memref<10240x128xf32, #tpu.memory_space<hbm>> -> memref<10240x128xf32, #tpu.memory_space<hbm>>
        %dma_start3A_260 = tpu.memref_slice %arg10[%dma_start3A_249] : memref<2x!tpu.dma_semaphore, #tpu.memory_space<semaphore_mem>> -> memref<1x!tpu.dma_semaphore, #tpu.memory_space<semaphore_mem>>
        %dma_start3A_261 = tpu.memref_squeeze %dma_start3A_260 : memref<1x!tpu.dma_semaphore, #tpu.memory_space<semaphore_mem>> -> memref<!tpu.dma_semaphore, #tpu.memory_space<semaphore_mem>>
        tpu.enqueue_indirect_dma source(%dma_start3A_259 : memref<10240x128xf32, #tpu.memory_space<hbm>>) target(%dma_start3A_253 : memref<128x128xf32, #tpu.memory_space<vmem>>) offsets(%dma_start3A_256 : memref<128xi32, #tpu.memory_space<vmem>>) semaphore(%dma_start3A_261 : memref<!tpu.dma_semaphore, #tpu.memory_space<semaphore_mem>>)
      } else {
      }
    }
    %scan3A_43 = arith.constant 28 : i32
    %dma_wait3A = arith.constant 0 : i32
    %dma_wait3A_44 = arith.constant 54 : i32
    %dma_wait3A_45 = arith.constant 0 : i32
    %dma_wait3A_46 = arith.constant 0 : i32
    %dma_wait3A_47 = arith.constant 0 : i32
    %dma_wait3A_48 = tpu.memref_slice %arg9[%dma_wait3A, %dma_wait3A_46, %dma_wait3A_47] : memref<2x128x128xf32, #tpu.memory_space<vmem>> -> memref<1x128x128xf32, #tpu.memory_space<vmem>>
    %dma_wait3A_49 = tpu.memref_squeeze %dma_wait3A_48 : memref<1x128x128xf32, #tpu.memory_space<vmem>> -> memref<128x128xf32, #tpu.memory_space<vmem>>
    %dma_wait3A_50 = arith.constant 0 : i32
    %dma_wait3A_51 = tpu.memref_slice %arg8[%dma_wait3A_44, %dma_wait3A_50] : memref<56x128xi32, #tpu.memory_space<vmem>> -> memref<1x128xi32, #tpu.memory_space<vmem>>
    %dma_wait3A_52 = tpu.memref_squeeze %dma_wait3A_51 : memref<1x128xi32, #tpu.memory_space<vmem>> -> memref<128xi32, #tpu.memory_space<vmem>>
    %dma_wait3A_53 = arith.constant 0 : i32
    %dma_wait3A_54 = arith.constant 0 : i32
    %dma_wait3A_55 = tpu.memref_slice %arg6[%dma_wait3A_53, %dma_wait3A_54] : memref<10240x128xf32, #tpu.memory_space<vmem_shared>> -> memref<10240x128xf32, #tpu.memory_space<vmem_shared>>
    %dma_wait3A_56 = tpu.memref_slice %arg11[%dma_wait3A_45] : memref<2x!tpu.dma_semaphore, #tpu.memory_space<semaphore_mem>> -> memref<1x!tpu.dma_semaphore, #tpu.memory_space<semaphore_mem>>
    %dma_wait3A_57 = tpu.memref_squeeze %dma_wait3A_56 : memref<1x!tpu.dma_semaphore, #tpu.memory_space<semaphore_mem>> -> memref<!tpu.dma_semaphore, #tpu.memory_space<semaphore_mem>>
    tpu.wait_indirect_dma semaphore(%dma_wait3A_57 : memref<!tpu.dma_semaphore, #tpu.memory_space<semaphore_mem>>) src(%dma_wait3A_49 : memref<128x128xf32, #tpu.memory_space<vmem>>) dst(%dma_wait3A_55 : memref<10240x128xf32, #tpu.memory_space<vmem_shared>>)
    %dma_wait3A_58 = arith.constant 1 : i32
    %dma_wait3A_59 = arith.constant 55 : i32
    %dma_wait3A_60 = arith.constant 1 : i32
    %dma_wait3A_61 = arith.constant 0 : i32
    %dma_wait3A_62 = arith.constant 0 : i32
    %dma_wait3A_63 = tpu.memref_slice %arg9[%dma_wait3A_58, %dma_wait3A_61, %dma_wait3A_62] : memref<2x128x128xf32, #tpu.memory_space<vmem>> -> memref<1x128x128xf32, #tpu.memory_space<vmem>>
    %dma_wait3A_64 = tpu.memref_squeeze %dma_wait3A_63 : memref<1x128x128xf32, #tpu.memory_space<vmem>> -> memref<128x128xf32, #tpu.memory_space<vmem>>
    %dma_wait3A_65 = arith.constant 0 : i32
    %dma_wait3A_66 = tpu.memref_slice %arg8[%dma_wait3A_59, %dma_wait3A_65] : memref<56x128xi32, #tpu.memory_space<vmem>> -> memref<1x128xi32, #tpu.memory_space<vmem>>
    %dma_wait3A_67 = tpu.memref_squeeze %dma_wait3A_66 : memref<1x128xi32, #tpu.memory_space<vmem>> -> memref<128xi32, #tpu.memory_space<vmem>>
    %dma_wait3A_68 = arith.constant 0 : i32
    %dma_wait3A_69 = arith.constant 0 : i32
    %dma_wait3A_70 = tpu.memref_slice %arg6[%dma_wait3A_68, %dma_wait3A_69] : memref<10240x128xf32, #tpu.memory_space<vmem_shared>> -> memref<10240x128xf32, #tpu.memory_space<vmem_shared>>
    %dma_wait3A_71 = tpu.memref_slice %arg11[%dma_wait3A_60] : memref<2x!tpu.dma_semaphore, #tpu.memory_space<semaphore_mem>> -> memref<1x!tpu.dma_semaphore, #tpu.memory_space<semaphore_mem>>
    %dma_wait3A_72 = tpu.memref_squeeze %dma_wait3A_71 : memref<1x!tpu.dma_semaphore, #tpu.memory_space<semaphore_mem>> -> memref<!tpu.dma_semaphore, #tpu.memory_space<semaphore_mem>>
    tpu.wait_indirect_dma semaphore(%dma_wait3A_72 : memref<!tpu.dma_semaphore, #tpu.memory_space<semaphore_mem>>) src(%dma_wait3A_64 : memref<128x128xf32, #tpu.memory_space<vmem>>) dst(%dma_wait3A_70 : memref<10240x128xf32, #tpu.memory_space<vmem_shared>>)
    "tpu.region"() ({
      %run_scoped3A = tpu.sem_alloc : memref<!tpu.dma_semaphore, #tpu.memory_space<semaphore_mem>>
      %dma_start3A_144 = arith.constant 0 : i32
      %dma_start3A_145 = arith.constant 0 : i32
      %dma_start3A_146 = tpu.memref_slice %arg7[%dma_start3A_144, %dma_start3A_145] : memref<56x128xi32, #tpu.memory_space<vmem>> -> memref<26x128xi32, #tpu.memory_space<vmem>>
      %dma_start3A_147 = arith.constant 56 : i32
      %dma_start3A_148 = arith.constant 0 : i32
      %dma_start3A_149 = tpu.memref_slice %arg3[%add3A, %dma_start3A_147, %dma_start3A_148] : memref<32x82x128xi32, #tpu.memory_space<hbm>> -> memref<1x26x128xi32, #tpu.memory_space<hbm>>
      %dma_start3A_150 = tpu.memref_squeeze %dma_start3A_149 : memref<1x26x128xi32, #tpu.memory_space<hbm>> -> memref<26x128xi32, #tpu.memory_space<hbm>>
      %dma_start3A_151 = arith.constant 0 : i32
      %dma_start3A_152 = arith.constant 0 : i32
      %dma_start3A_153 = tpu.memref_slice %arg7[%dma_start3A_151, %dma_start3A_152] : memref<56x128xi32, #tpu.memory_space<vmem>> -> memref<26x128xi32, #tpu.memory_space<vmem>>
      %dma_start3A_154 = arith.constant 56 : i32
      %dma_start3A_155 = arith.constant 0 : i32
      %dma_start3A_156 = tpu.memref_slice %arg3[%add3A, %dma_start3A_154, %dma_start3A_155] : memref<32x82x128xi32, #tpu.memory_space<hbm>> -> memref<1x26x128xi32, #tpu.memory_space<hbm>>
      %dma_start3A_157 = tpu.memref_squeeze %dma_start3A_156 : memref<1x26x128xi32, #tpu.memory_space<hbm>> -> memref<26x128xi32, #tpu.memory_space<hbm>>
      tpu.enqueue_dma source(%dma_start3A_157 : memref<26x128xi32, #tpu.memory_space<hbm>>) target(%dma_start3A_153 : memref<26x128xi32, #tpu.memory_space<vmem>>) target_semaphore(%run_scoped3A : memref<!tpu.dma_semaphore, #tpu.memory_space<semaphore_mem>>)
      %dma_wait3A_158 = arith.constant 0 : i32
      %dma_wait3A_159 = arith.constant 0 : i32
      %dma_wait3A_160 = tpu.memref_slice %arg7[%dma_wait3A_158, %dma_wait3A_159] : memref<56x128xi32, #tpu.memory_space<vmem>> -> memref<26x128xi32, #tpu.memory_space<vmem>>
      %dma_wait3A_161 = arith.constant 56 : i32
      %dma_wait3A_162 = arith.constant 0 : i32
      %dma_wait3A_163 = tpu.memref_slice %arg3[%add3A, %dma_wait3A_161, %dma_wait3A_162] : memref<32x82x128xi32, #tpu.memory_space<hbm>> -> memref<1x26x128xi32, #tpu.memory_space<hbm>>
      %dma_wait3A_164 = tpu.memref_squeeze %dma_wait3A_163 : memref<1x26x128xi32, #tpu.memory_space<hbm>> -> memref<26x128xi32, #tpu.memory_space<hbm>>
      %dma_wait3A_165 = arith.constant 0 : i32
      %dma_wait3A_166 = arith.constant 0 : i32
      %dma_wait3A_167 = tpu.memref_slice %arg7[%dma_wait3A_165, %dma_wait3A_166] : memref<56x128xi32, #tpu.memory_space<vmem>> -> memref<26x128xi32, #tpu.memory_space<vmem>>
      %dma_wait3A_168 = arith.constant 56 : i32
      %dma_wait3A_169 = arith.constant 0 : i32
      %dma_wait3A_170 = tpu.memref_slice %arg3[%add3A, %dma_wait3A_168, %dma_wait3A_169] : memref<32x82x128xi32, #tpu.memory_space<hbm>> -> memref<1x26x128xi32, #tpu.memory_space<hbm>>
      %dma_wait3A_171 = tpu.memref_squeeze %dma_wait3A_170 : memref<1x26x128xi32, #tpu.memory_space<hbm>> -> memref<26x128xi32, #tpu.memory_space<hbm>>
      tpu.wait_dma2 semaphore(%run_scoped3A : memref<!tpu.dma_semaphore, #tpu.memory_space<semaphore_mem>>) src(%dma_wait3A_171 : memref<26x128xi32, #tpu.memory_space<hbm>>) dst(%dma_wait3A_167 : memref<26x128xi32, #tpu.memory_space<vmem>>)
      tpu.yield
    }) : () -> ()
    "tpu.region"() ({
      %run_scoped3A = tpu.sem_alloc : memref<!tpu.dma_semaphore, #tpu.memory_space<semaphore_mem>>
      %dma_start3A_144 = arith.constant 0 : i32
      %dma_start3A_145 = arith.constant 0 : i32
      %dma_start3A_146 = tpu.memref_slice %arg8[%dma_start3A_144, %dma_start3A_145] : memref<56x128xi32, #tpu.memory_space<vmem>> -> memref<26x128xi32, #tpu.memory_space<vmem>>
      %dma_start3A_147 = arith.constant 56 : i32
      %dma_start3A_148 = arith.constant 0 : i32
      %dma_start3A_149 = tpu.memref_slice %arg4[%add3A, %dma_start3A_147, %dma_start3A_148] : memref<32x82x128xi32, #tpu.memory_space<hbm>> -> memref<1x26x128xi32, #tpu.memory_space<hbm>>
      %dma_start3A_150 = tpu.memref_squeeze %dma_start3A_149 : memref<1x26x128xi32, #tpu.memory_space<hbm>> -> memref<26x128xi32, #tpu.memory_space<hbm>>
      %dma_start3A_151 = arith.constant 0 : i32
      %dma_start3A_152 = arith.constant 0 : i32
      %dma_start3A_153 = tpu.memref_slice %arg8[%dma_start3A_151, %dma_start3A_152] : memref<56x128xi32, #tpu.memory_space<vmem>> -> memref<26x128xi32, #tpu.memory_space<vmem>>
      %dma_start3A_154 = arith.constant 56 : i32
      %dma_start3A_155 = arith.constant 0 : i32
      %dma_start3A_156 = tpu.memref_slice %arg4[%add3A, %dma_start3A_154, %dma_start3A_155] : memref<32x82x128xi32, #tpu.memory_space<hbm>> -> memref<1x26x128xi32, #tpu.memory_space<hbm>>
      %dma_start3A_157 = tpu.memref_squeeze %dma_start3A_156 : memref<1x26x128xi32, #tpu.memory_space<hbm>> -> memref<26x128xi32, #tpu.memory_space<hbm>>
      tpu.enqueue_dma source(%dma_start3A_157 : memref<26x128xi32, #tpu.memory_space<hbm>>) target(%dma_start3A_153 : memref<26x128xi32, #tpu.memory_space<vmem>>) target_semaphore(%run_scoped3A : memref<!tpu.dma_semaphore, #tpu.memory_space<semaphore_mem>>)
      %dma_wait3A_158 = arith.constant 0 : i32
      %dma_wait3A_159 = arith.constant 0 : i32
      %dma_wait3A_160 = tpu.memref_slice %arg8[%dma_wait3A_158, %dma_wait3A_159] : memref<56x128xi32, #tpu.memory_space<vmem>> -> memref<26x128xi32, #tpu.memory_space<vmem>>
      %dma_wait3A_161 = arith.constant 56 : i32
      %dma_wait3A_162 = arith.constant 0 : i32
      %dma_wait3A_163 = tpu.memref_slice %arg4[%add3A, %dma_wait3A_161, %dma_wait3A_162] : memref<32x82x128xi32, #tpu.memory_space<hbm>> -> memref<1x26x128xi32, #tpu.memory_space<hbm>>
      %dma_wait3A_164 = tpu.memref_squeeze %dma_wait3A_163 : memref<1x26x128xi32, #tpu.memory_space<hbm>> -> memref<26x128xi32, #tpu.memory_space<hbm>>
      %dma_wait3A_165 = arith.constant 0 : i32
      %dma_wait3A_166 = arith.constant 0 : i32
      %dma_wait3A_167 = tpu.memref_slice %arg8[%dma_wait3A_165, %dma_wait3A_166] : memref<56x128xi32, #tpu.memory_space<vmem>> -> memref<26x128xi32, #tpu.memory_space<vmem>>
      %dma_wait3A_168 = arith.constant 56 : i32
      %dma_wait3A_169 = arith.constant 0 : i32
      %dma_wait3A_170 = tpu.memref_slice %arg4[%add3A, %dma_wait3A_168, %dma_wait3A_169] : memref<32x82x128xi32, #tpu.memory_space<hbm>> -> memref<1x26x128xi32, #tpu.memory_space<hbm>>
      %dma_wait3A_171 = tpu.memref_squeeze %dma_wait3A_170 : memref<1x26x128xi32, #tpu.memory_space<hbm>> -> memref<26x128xi32, #tpu.memory_space<hbm>>
      tpu.wait_dma2 semaphore(%run_scoped3A : memref<!tpu.dma_semaphore, #tpu.memory_space<semaphore_mem>>) src(%dma_wait3A_171 : memref<26x128xi32, #tpu.memory_space<hbm>>) dst(%dma_wait3A_167 : memref<26x128xi32, #tpu.memory_space<vmem>>)
      tpu.yield
    }) : () -> ()
    %dma_start3A_73 = arith.constant 0 : i32
    %dma_start3A_74 = arith.constant 0 : i32
    %dma_start3A_75 = arith.constant 0 : i32
    %dma_start3A_76 = arith.constant 0 : i32
    %dma_start3A_77 = arith.constant 0 : i32
    %dma_start3A_78 = tpu.memref_slice %arg9[%dma_start3A_74, %dma_start3A_76, %dma_start3A_77] : memref<2x128x128xf32, #tpu.memory_space<vmem>> -> memref<1x128x128xf32, #tpu.memory_space<vmem>>
    %dma_start3A_79 = tpu.memref_squeeze %dma_start3A_78 : memref<1x128x128xf32, #tpu.memory_space<vmem>> -> memref<128x128xf32, #tpu.memory_space<vmem>>
    %dma_start3A_80 = arith.constant 0 : i32
    %dma_start3A_81 = tpu.memref_slice %arg7[%dma_start3A_73, %dma_start3A_80] : memref<56x128xi32, #tpu.memory_space<vmem>> -> memref<1x128xi32, #tpu.memory_space<vmem>>
    %dma_start3A_82 = tpu.memref_squeeze %dma_start3A_81 : memref<1x128xi32, #tpu.memory_space<vmem>> -> memref<128xi32, #tpu.memory_space<vmem>>
    %dma_start3A_83 = arith.constant 0 : i32
    %dma_start3A_84 = arith.constant 0 : i32
    %dma_start3A_85 = tpu.memref_slice %arg2[%dma_start3A_83, %dma_start3A_84] : memref<10240x128xf32, #tpu.memory_space<hbm>> -> memref<10240x128xf32, #tpu.memory_space<hbm>>
    %dma_start3A_86 = tpu.memref_slice %arg10[%dma_start3A_75] : memref<2x!tpu.dma_semaphore, #tpu.memory_space<semaphore_mem>> -> memref<1x!tpu.dma_semaphore, #tpu.memory_space<semaphore_mem>>
    %dma_start3A_87 = tpu.memref_squeeze %dma_start3A_86 : memref<1x!tpu.dma_semaphore, #tpu.memory_space<semaphore_mem>> -> memref<!tpu.dma_semaphore, #tpu.memory_space<semaphore_mem>>
    tpu.enqueue_indirect_dma source(%dma_start3A_85 : memref<10240x128xf32, #tpu.memory_space<hbm>>) target(%dma_start3A_79 : memref<128x128xf32, #tpu.memory_space<vmem>>) offsets(%dma_start3A_82 : memref<128xi32, #tpu.memory_space<vmem>>) semaphore(%dma_start3A_87 : memref<!tpu.dma_semaphore, #tpu.memory_space<semaphore_mem>>)
    %dma_start3A_88 = arith.constant 1 : i32
    %dma_start3A_89 = arith.constant 1 : i32
    %dma_start3A_90 = arith.constant 1 : i32
    %dma_start3A_91 = arith.constant 0 : i32
    %dma_start3A_92 = arith.constant 0 : i32
    %dma_start3A_93 = tpu.memref_slice %arg9[%dma_start3A_89, %dma_start3A_91, %dma_start3A_92] : memref<2x128x128xf32, #tpu.memory_space<vmem>> -> memref<1x128x128xf32, #tpu.memory_space<vmem>>
    %dma_start3A_94 = tpu.memref_squeeze %dma_start3A_93 : memref<1x128x128xf32, #tpu.memory_space<vmem>> -> memref<128x128xf32, #tpu.memory_space<vmem>>
    %dma_start3A_95 = arith.constant 0 : i32
    %dma_start3A_96 = tpu.memref_slice %arg7[%dma_start3A_88, %dma_start3A_95] : memref<56x128xi32, #tpu.memory_space<vmem>> -> memref<1x128xi32, #tpu.memory_space<vmem>>
    %dma_start3A_97 = tpu.memref_squeeze %dma_start3A_96 : memref<1x128xi32, #tpu.memory_space<vmem>> -> memref<128xi32, #tpu.memory_space<vmem>>
    %dma_start3A_98 = arith.constant 0 : i32
    %dma_start3A_99 = arith.constant 0 : i32
    %dma_start3A_100 = tpu.memref_slice %arg2[%dma_start3A_98, %dma_start3A_99] : memref<10240x128xf32, #tpu.memory_space<hbm>> -> memref<10240x128xf32, #tpu.memory_space<hbm>>
    %dma_start3A_101 = tpu.memref_slice %arg10[%dma_start3A_90] : memref<2x!tpu.dma_semaphore, #tpu.memory_space<semaphore_mem>> -> memref<1x!tpu.dma_semaphore, #tpu.memory_space<semaphore_mem>>
    %dma_start3A_102 = tpu.memref_squeeze %dma_start3A_101 : memref<1x!tpu.dma_semaphore, #tpu.memory_space<semaphore_mem>> -> memref<!tpu.dma_semaphore, #tpu.memory_space<semaphore_mem>>
    tpu.enqueue_indirect_dma source(%dma_start3A_100 : memref<10240x128xf32, #tpu.memory_space<hbm>>) target(%dma_start3A_94 : memref<128x128xf32, #tpu.memory_space<vmem>>) offsets(%dma_start3A_97 : memref<128xi32, #tpu.memory_space<vmem>>) semaphore(%dma_start3A_102 : memref<!tpu.dma_semaphore, #tpu.memory_space<semaphore_mem>>)
    %scan3A_103 = arith.constant 0 : i32
    %scan3A_104 = arith.constant 13 : i32
    %scan3A_105 = arith.addi %scan3A_103, %scan3A_104 : i32
    %scan3A_106 = arith.constant 1 : i32
    scf.for %scan3A_144 = %scan3A_103 to %scan3A_105 step %scan3A_106  : i32 {
      %mul3A_145 = arith.constant 2 : i32
      %mul3A_146 = arith.muli %scan3A_144, %mul3A_145 : i32
      %add3A_147 = arith.constant 0 : i32
      %add3A_148 = arith.addi %add3A_147, %mul3A_146 : i32
      %add3A_149 = arith.constant 0 : i32
      %add3A_150 = arith.addi %add3A_148, %add3A_149 : i32
      %dma_wait3A_151 = arith.constant 0 : i32
      %dma_wait3A_152 = arith.constant 0 : i32
      %dma_wait3A_153 = arith.constant 0 : i32
      %dma_wait3A_154 = arith.constant 0 : i32
      %dma_wait3A_155 = tpu.memref_slice %arg9[%dma_wait3A_151, %dma_wait3A_153, %dma_wait3A_154] : memref<2x128x128xf32, #tpu.memory_space<vmem>> -> memref<1x128x128xf32, #tpu.memory_space<vmem>>
      %dma_wait3A_156 = tpu.memref_squeeze %dma_wait3A_155 : memref<1x128x128xf32, #tpu.memory_space<vmem>> -> memref<128x128xf32, #tpu.memory_space<vmem>>
      %dma_wait3A_157 = arith.constant 0 : i32
      %dma_wait3A_158 = tpu.memref_slice %arg7[%add3A_150, %dma_wait3A_157] : memref<56x128xi32, #tpu.memory_space<vmem>> -> memref<1x128xi32, #tpu.memory_space<vmem>>
      %dma_wait3A_159 = tpu.memref_squeeze %dma_wait3A_158 : memref<1x128xi32, #tpu.memory_space<vmem>> -> memref<128xi32, #tpu.memory_space<vmem>>
      %dma_wait3A_160 = arith.constant 0 : i32
      %dma_wait3A_161 = arith.constant 0 : i32
      %dma_wait3A_162 = tpu.memref_slice %arg2[%dma_wait3A_160, %dma_wait3A_161] : memref<10240x128xf32, #tpu.memory_space<hbm>> -> memref<10240x128xf32, #tpu.memory_space<hbm>>
      %dma_wait3A_163 = tpu.memref_slice %arg10[%dma_wait3A_152] : memref<2x!tpu.dma_semaphore, #tpu.memory_space<semaphore_mem>> -> memref<1x!tpu.dma_semaphore, #tpu.memory_space<semaphore_mem>>
      %dma_wait3A_164 = tpu.memref_squeeze %dma_wait3A_163 : memref<1x!tpu.dma_semaphore, #tpu.memory_space<semaphore_mem>> -> memref<!tpu.dma_semaphore, #tpu.memory_space<semaphore_mem>>
      tpu.wait_indirect_dma semaphore(%dma_wait3A_164 : memref<!tpu.dma_semaphore, #tpu.memory_space<semaphore_mem>>) src(%dma_wait3A_162 : memref<10240x128xf32, #tpu.memory_space<hbm>>) dst(%dma_wait3A_156 : memref<128x128xf32, #tpu.memory_space<vmem>>)
      %add3A_165 = arith.constant 0 : i32
      %add3A_166 = arith.addi %add3A_148, %add3A_165 : i32
      %dma_start3A_167 = arith.constant 0 : i32
      %dma_start3A_168 = arith.constant 0 : i32
      %dma_start3A_169 = arith.constant 0 : i32
      %dma_start3A_170 = arith.constant 0 : i32
      %dma_start3A_171 = tpu.memref_slice %arg9[%dma_start3A_167, %dma_start3A_169, %dma_start3A_170] : memref<2x128x128xf32, #tpu.memory_space<vmem>> -> memref<1x128x128xf32, #tpu.memory_space<vmem>>
      %dma_start3A_172 = tpu.memref_squeeze %dma_start3A_171 : memref<1x128x128xf32, #tpu.memory_space<vmem>> -> memref<128x128xf32, #tpu.memory_space<vmem>>
      %dma_start3A_173 = arith.constant 0 : i32
      %dma_start3A_174 = tpu.memref_slice %arg8[%add3A_166, %dma_start3A_173] : memref<56x128xi32, #tpu.memory_space<vmem>> -> memref<1x128xi32, #tpu.memory_space<vmem>>
      %dma_start3A_175 = tpu.memref_squeeze %dma_start3A_174 : memref<1x128xi32, #tpu.memory_space<vmem>> -> memref<128xi32, #tpu.memory_space<vmem>>
      %dma_start3A_176 = arith.constant 0 : i32
      %dma_start3A_177 = arith.constant 0 : i32
      %dma_start3A_178 = tpu.memref_slice %arg6[%dma_start3A_176, %dma_start3A_177] : memref<10240x128xf32, #tpu.memory_space<vmem_shared>> -> memref<10240x128xf32, #tpu.memory_space<vmem_shared>>
      %dma_start3A_179 = tpu.memref_slice %arg11[%dma_start3A_168] : memref<2x!tpu.dma_semaphore, #tpu.memory_space<semaphore_mem>> -> memref<1x!tpu.dma_semaphore, #tpu.memory_space<semaphore_mem>>
      %dma_start3A_180 = tpu.memref_squeeze %dma_start3A_179 : memref<1x!tpu.dma_semaphore, #tpu.memory_space<semaphore_mem>> -> memref<!tpu.dma_semaphore, #tpu.memory_space<semaphore_mem>>
      tpu.enqueue_indirect_dma source(%dma_start3A_172 : memref<128x128xf32, #tpu.memory_space<vmem>>) target(%dma_start3A_178 : memref<10240x128xf32, #tpu.memory_space<vmem_shared>>) offsets(%dma_start3A_175 : memref<128xi32, #tpu.memory_space<vmem>>) semaphore(%dma_start3A_180 : memref<!tpu.dma_semaphore, #tpu.memory_space<semaphore_mem>>) {add = true}
      %add3A_181 = arith.constant 1 : i32
      %add3A_182 = arith.addi %add3A_148, %add3A_181 : i32
      %dma_wait3A_183 = arith.constant 1 : i32
      %dma_wait3A_184 = arith.constant 1 : i32
      %dma_wait3A_185 = arith.constant 0 : i32
      %dma_wait3A_186 = arith.constant 0 : i32
      %dma_wait3A_187 = tpu.memref_slice %arg9[%dma_wait3A_183, %dma_wait3A_185, %dma_wait3A_186] : memref<2x128x128xf32, #tpu.memory_space<vmem>> -> memref<1x128x128xf32, #tpu.memory_space<vmem>>
      %dma_wait3A_188 = tpu.memref_squeeze %dma_wait3A_187 : memref<1x128x128xf32, #tpu.memory_space<vmem>> -> memref<128x128xf32, #tpu.memory_space<vmem>>
      %dma_wait3A_189 = arith.constant 0 : i32
      %dma_wait3A_190 = tpu.memref_slice %arg7[%add3A_182, %dma_wait3A_189] : memref<56x128xi32, #tpu.memory_space<vmem>> -> memref<1x128xi32, #tpu.memory_space<vmem>>
      %dma_wait3A_191 = tpu.memref_squeeze %dma_wait3A_190 : memref<1x128xi32, #tpu.memory_space<vmem>> -> memref<128xi32, #tpu.memory_space<vmem>>
      %dma_wait3A_192 = arith.constant 0 : i32
      %dma_wait3A_193 = arith.constant 0 : i32
      %dma_wait3A_194 = tpu.memref_slice %arg2[%dma_wait3A_192, %dma_wait3A_193] : memref<10240x128xf32, #tpu.memory_space<hbm>> -> memref<10240x128xf32, #tpu.memory_space<hbm>>
      %dma_wait3A_195 = tpu.memref_slice %arg10[%dma_wait3A_184] : memref<2x!tpu.dma_semaphore, #tpu.memory_space<semaphore_mem>> -> memref<1x!tpu.dma_semaphore, #tpu.memory_space<semaphore_mem>>
      %dma_wait3A_196 = tpu.memref_squeeze %dma_wait3A_195 : memref<1x!tpu.dma_semaphore, #tpu.memory_space<semaphore_mem>> -> memref<!tpu.dma_semaphore, #tpu.memory_space<semaphore_mem>>
      tpu.wait_indirect_dma semaphore(%dma_wait3A_196 : memref<!tpu.dma_semaphore, #tpu.memory_space<semaphore_mem>>) src(%dma_wait3A_194 : memref<10240x128xf32, #tpu.memory_space<hbm>>) dst(%dma_wait3A_188 : memref<128x128xf32, #tpu.memory_space<vmem>>)
      %add3A_197 = arith.constant 1 : i32
      %add3A_198 = arith.addi %add3A_148, %add3A_197 : i32
      %dma_start3A_199 = arith.constant 1 : i32
      %dma_start3A_200 = arith.constant 1 : i32
      %dma_start3A_201 = arith.constant 0 : i32
      %dma_start3A_202 = arith.constant 0 : i32
      %dma_start3A_203 = tpu.memref_slice %arg9[%dma_start3A_199, %dma_start3A_201, %dma_start3A_202] : memref<2x128x128xf32, #tpu.memory_space<vmem>> -> memref<1x128x128xf32, #tpu.memory_space<vmem>>
      %dma_start3A_204 = tpu.memref_squeeze %dma_start3A_203 : memref<1x128x128xf32, #tpu.memory_space<vmem>> -> memref<128x128xf32, #tpu.memory_space<vmem>>
      %dma_start3A_205 = arith.constant 0 : i32
      %dma_start3A_206 = tpu.memref_slice %arg8[%add3A_198, %dma_start3A_205] : memref<56x128xi32, #tpu.memory_space<vmem>> -> memref<1x128xi32, #tpu.memory_space<vmem>>
      %dma_start3A_207 = tpu.memref_squeeze %dma_start3A_206 : memref<1x128xi32, #tpu.memory_space<vmem>> -> memref<128xi32, #tpu.memory_space<vmem>>
      %dma_start3A_208 = arith.constant 0 : i32
      %dma_start3A_209 = arith.constant 0 : i32
      %dma_start3A_210 = tpu.memref_slice %arg6[%dma_start3A_208, %dma_start3A_209] : memref<10240x128xf32, #tpu.memory_space<vmem_shared>> -> memref<10240x128xf32, #tpu.memory_space<vmem_shared>>
      %dma_start3A_211 = tpu.memref_slice %arg11[%dma_start3A_200] : memref<2x!tpu.dma_semaphore, #tpu.memory_space<semaphore_mem>> -> memref<1x!tpu.dma_semaphore, #tpu.memory_space<semaphore_mem>>
      %dma_start3A_212 = tpu.memref_squeeze %dma_start3A_211 : memref<1x!tpu.dma_semaphore, #tpu.memory_space<semaphore_mem>> -> memref<!tpu.dma_semaphore, #tpu.memory_space<semaphore_mem>>
      tpu.enqueue_indirect_dma source(%dma_start3A_204 : memref<128x128xf32, #tpu.memory_space<vmem>>) target(%dma_start3A_210 : memref<10240x128xf32, #tpu.memory_space<vmem_shared>>) offsets(%dma_start3A_207 : memref<128xi32, #tpu.memory_space<vmem>>) semaphore(%dma_start3A_212 : memref<!tpu.dma_semaphore, #tpu.memory_space<semaphore_mem>>) {add = true}
      %add3A_213 = arith.constant 2 : i32
      %add3A_214 = arith.addi %add3A_148, %add3A_213 : i32
      %add3A_215 = arith.constant 0 : i32
      %add3A_216 = arith.addi %add3A_214, %add3A_215 : i32
      %lt3A = arith.constant 26 : i32
      %lt3A_217 = arith.cmpi slt, %add3A_216, %lt3A : i32
      %convert_element_type3A = arith.extui %lt3A_217 : i1 to i32
      %cond3A = arith.constant 0 : i32
      %cond3A_218 = arith.cmpi ne, %convert_element_type3A, %cond3A : i32
      scf.if %cond3A_218 {
        %add3A_228 = arith.constant 0 : i32
        %add3A_229 = arith.addi %add3A_148, %add3A_228 : i32
        %dma_wait3A_230 = arith.constant 0 : i32
        %dma_wait3A_231 = arith.constant 0 : i32
        %dma_wait3A_232 = arith.constant 0 : i32
        %dma_wait3A_233 = arith.constant 0 : i32
        %dma_wait3A_234 = tpu.memref_slice %arg9[%dma_wait3A_230, %dma_wait3A_232, %dma_wait3A_233] : memref<2x128x128xf32, #tpu.memory_space<vmem>> -> memref<1x128x128xf32, #tpu.memory_space<vmem>>
        %dma_wait3A_235 = tpu.memref_squeeze %dma_wait3A_234 : memref<1x128x128xf32, #tpu.memory_space<vmem>> -> memref<128x128xf32, #tpu.memory_space<vmem>>
        %dma_wait3A_236 = arith.constant 0 : i32
        %dma_wait3A_237 = tpu.memref_slice %arg8[%add3A_229, %dma_wait3A_236] : memref<56x128xi32, #tpu.memory_space<vmem>> -> memref<1x128xi32, #tpu.memory_space<vmem>>
        %dma_wait3A_238 = tpu.memref_squeeze %dma_wait3A_237 : memref<1x128xi32, #tpu.memory_space<vmem>> -> memref<128xi32, #tpu.memory_space<vmem>>
        %dma_wait3A_239 = arith.constant 0 : i32
        %dma_wait3A_240 = arith.constant 0 : i32
        %dma_wait3A_241 = tpu.memref_slice %arg6[%dma_wait3A_239, %dma_wait3A_240] : memref<10240x128xf32, #tpu.memory_space<vmem_shared>> -> memref<10240x128xf32, #tpu.memory_space<vmem_shared>>
        %dma_wait3A_242 = tpu.memref_slice %arg11[%dma_wait3A_231] : memref<2x!tpu.dma_semaphore, #tpu.memory_space<semaphore_mem>> -> memref<1x!tpu.dma_semaphore, #tpu.memory_space<semaphore_mem>>
        %dma_wait3A_243 = tpu.memref_squeeze %dma_wait3A_242 : memref<1x!tpu.dma_semaphore, #tpu.memory_space<semaphore_mem>> -> memref<!tpu.dma_semaphore, #tpu.memory_space<semaphore_mem>>
        tpu.wait_indirect_dma semaphore(%dma_wait3A_243 : memref<!tpu.dma_semaphore, #tpu.memory_space<semaphore_mem>>) src(%dma_wait3A_235 : memref<128x128xf32, #tpu.memory_space<vmem>>) dst(%dma_wait3A_241 : memref<10240x128xf32, #tpu.memory_space<vmem_shared>>)
        %add3A_244 = arith.constant 2 : i32
        %add3A_245 = arith.addi %add3A_148, %add3A_244 : i32
        %add3A_246 = arith.constant 0 : i32
        %add3A_247 = arith.addi %add3A_245, %add3A_246 : i32
        %dma_start3A_248 = arith.constant 0 : i32
        %dma_start3A_249 = arith.constant 0 : i32
        %dma_start3A_250 = arith.constant 0 : i32
        %dma_start3A_251 = arith.constant 0 : i32
        %dma_start3A_252 = tpu.memref_slice %arg9[%dma_start3A_248, %dma_start3A_250, %dma_start3A_251] : memref<2x128x128xf32, #tpu.memory_space<vmem>> -> memref<1x128x128xf32, #tpu.memory_space<vmem>>
        %dma_start3A_253 = tpu.memref_squeeze %dma_start3A_252 : memref<1x128x128xf32, #tpu.memory_space<vmem>> -> memref<128x128xf32, #tpu.memory_space<vmem>>
        %dma_start3A_254 = arith.constant 0 : i32
        %dma_start3A_255 = tpu.memref_slice %arg7[%add3A_247, %dma_start3A_254] : memref<56x128xi32, #tpu.memory_space<vmem>> -> memref<1x128xi32, #tpu.memory_space<vmem>>
        %dma_start3A_256 = tpu.memref_squeeze %dma_start3A_255 : memref<1x128xi32, #tpu.memory_space<vmem>> -> memref<128xi32, #tpu.memory_space<vmem>>
        %dma_start3A_257 = arith.constant 0 : i32
        %dma_start3A_258 = arith.constant 0 : i32
        %dma_start3A_259 = tpu.memref_slice %arg2[%dma_start3A_257, %dma_start3A_258] : memref<10240x128xf32, #tpu.memory_space<hbm>> -> memref<10240x128xf32, #tpu.memory_space<hbm>>
        %dma_start3A_260 = tpu.memref_slice %arg10[%dma_start3A_249] : memref<2x!tpu.dma_semaphore, #tpu.memory_space<semaphore_mem>> -> memref<1x!tpu.dma_semaphore, #tpu.memory_space<semaphore_mem>>
        %dma_start3A_261 = tpu.memref_squeeze %dma_start3A_260 : memref<1x!tpu.dma_semaphore, #tpu.memory_space<semaphore_mem>> -> memref<!tpu.dma_semaphore, #tpu.memory_space<semaphore_mem>>
        tpu.enqueue_indirect_dma source(%dma_start3A_259 : memref<10240x128xf32, #tpu.memory_space<hbm>>) target(%dma_start3A_253 : memref<128x128xf32, #tpu.memory_space<vmem>>) offsets(%dma_start3A_256 : memref<128xi32, #tpu.memory_space<vmem>>) semaphore(%dma_start3A_261 : memref<!tpu.dma_semaphore, #tpu.memory_space<semaphore_mem>>)
      } else {
      }
      %add3A_219 = arith.constant 2 : i32
      %add3A_220 = arith.addi %add3A_148, %add3A_219 : i32
      %add3A_221 = arith.constant 1 : i32
      %add3A_222 = arith.addi %add3A_220, %add3A_221 : i32
      %lt3A_223 = arith.constant 26 : i32
      %lt3A_224 = arith.cmpi slt, %add3A_222, %lt3A_223 : i32
      %convert_element_type3A_225 = arith.extui %lt3A_224 : i1 to i32
      %cond3A_226 = arith.constant 0 : i32
      %cond3A_227 = arith.cmpi ne, %convert_element_type3A_225, %cond3A_226 : i32
      scf.if %cond3A_227 {
        %add3A_228 = arith.constant 1 : i32
        %add3A_229 = arith.addi %add3A_148, %add3A_228 : i32
        %dma_wait3A_230 = arith.constant 1 : i32
        %dma_wait3A_231 = arith.constant 1 : i32
        %dma_wait3A_232 = arith.constant 0 : i32
        %dma_wait3A_233 = arith.constant 0 : i32
        %dma_wait3A_234 = tpu.memref_slice %arg9[%dma_wait3A_230, %dma_wait3A_232, %dma_wait3A_233] : memref<2x128x128xf32, #tpu.memory_space<vmem>> -> memref<1x128x128xf32, #tpu.memory_space<vmem>>
        %dma_wait3A_235 = tpu.memref_squeeze %dma_wait3A_234 : memref<1x128x128xf32, #tpu.memory_space<vmem>> -> memref<128x128xf32, #tpu.memory_space<vmem>>
        %dma_wait3A_236 = arith.constant 0 : i32
        %dma_wait3A_237 = tpu.memref_slice %arg8[%add3A_229, %dma_wait3A_236] : memref<56x128xi32, #tpu.memory_space<vmem>> -> memref<1x128xi32, #tpu.memory_space<vmem>>
        %dma_wait3A_238 = tpu.memref_squeeze %dma_wait3A_237 : memref<1x128xi32, #tpu.memory_space<vmem>> -> memref<128xi32, #tpu.memory_space<vmem>>
        %dma_wait3A_239 = arith.constant 0 : i32
        %dma_wait3A_240 = arith.constant 0 : i32
        %dma_wait3A_241 = tpu.memref_slice %arg6[%dma_wait3A_239, %dma_wait3A_240] : memref<10240x128xf32, #tpu.memory_space<vmem_shared>> -> memref<10240x128xf32, #tpu.memory_space<vmem_shared>>
        %dma_wait3A_242 = tpu.memref_slice %arg11[%dma_wait3A_231] : memref<2x!tpu.dma_semaphore, #tpu.memory_space<semaphore_mem>> -> memref<1x!tpu.dma_semaphore, #tpu.memory_space<semaphore_mem>>
        %dma_wait3A_243 = tpu.memref_squeeze %dma_wait3A_242 : memref<1x!tpu.dma_semaphore, #tpu.memory_space<semaphore_mem>> -> memref<!tpu.dma_semaphore, #tpu.memory_space<semaphore_mem>>
        tpu.wait_indirect_dma semaphore(%dma_wait3A_243 : memref<!tpu.dma_semaphore, #tpu.memory_space<semaphore_mem>>) src(%dma_wait3A_235 : memref<128x128xf32, #tpu.memory_space<vmem>>) dst(%dma_wait3A_241 : memref<10240x128xf32, #tpu.memory_space<vmem_shared>>)
        %add3A_244 = arith.constant 2 : i32
        %add3A_245 = arith.addi %add3A_148, %add3A_244 : i32
        %add3A_246 = arith.constant 1 : i32
        %add3A_247 = arith.addi %add3A_245, %add3A_246 : i32
        %dma_start3A_248 = arith.constant 1 : i32
        %dma_start3A_249 = arith.constant 1 : i32
        %dma_start3A_250 = arith.constant 0 : i32
        %dma_start3A_251 = arith.constant 0 : i32
        %dma_start3A_252 = tpu.memref_slice %arg9[%dma_start3A_248, %dma_start3A_250, %dma_start3A_251] : memref<2x128x128xf32, #tpu.memory_space<vmem>> -> memref<1x128x128xf32, #tpu.memory_space<vmem>>
        %dma_start3A_253 = tpu.memref_squeeze %dma_start3A_252 : memref<1x128x128xf32, #tpu.memory_space<vmem>> -> memref<128x128xf32, #tpu.memory_space<vmem>>
        %dma_start3A_254 = arith.constant 0 : i32
        %dma_start3A_255 = tpu.memref_slice %arg7[%add3A_247, %dma_start3A_254] : memref<56x128xi32, #tpu.memory_space<vmem>> -> memref<1x128xi32, #tpu.memory_space<vmem>>
        %dma_start3A_256 = tpu.memref_squeeze %dma_start3A_255 : memref<1x128xi32, #tpu.memory_space<vmem>> -> memref<128xi32, #tpu.memory_space<vmem>>
        %dma_start3A_257 = arith.constant 0 : i32
        %dma_start3A_258 = arith.constant 0 : i32
        %dma_start3A_259 = tpu.memref_slice %arg2[%dma_start3A_257, %dma_start3A_258] : memref<10240x128xf32, #tpu.memory_space<hbm>> -> memref<10240x128xf32, #tpu.memory_space<hbm>>
        %dma_start3A_260 = tpu.memref_slice %arg10[%dma_start3A_249] : memref<2x!tpu.dma_semaphore, #tpu.memory_space<semaphore_mem>> -> memref<1x!tpu.dma_semaphore, #tpu.memory_space<semaphore_mem>>
        %dma_start3A_261 = tpu.memref_squeeze %dma_start3A_260 : memref<1x!tpu.dma_semaphore, #tpu.memory_space<semaphore_mem>> -> memref<!tpu.dma_semaphore, #tpu.memory_space<semaphore_mem>>
        tpu.enqueue_indirect_dma source(%dma_start3A_259 : memref<10240x128xf32, #tpu.memory_space<hbm>>) target(%dma_start3A_253 : memref<128x128xf32, #tpu.memory_space<vmem>>) offsets(%dma_start3A_256 : memref<128xi32, #tpu.memory_space<vmem>>) semaphore(%dma_start3A_261 : memref<!tpu.dma_semaphore, #tpu.memory_space<semaphore_mem>>)
      } else {
      }
    }
    %scan3A_107 = arith.constant 13 : i32
    %dma_wait3A_108 = arith.constant 0 : i32
    %dma_wait3A_109 = arith.constant 24 : i32
    %dma_wait3A_110 = arith.constant 0 : i32
    %dma_wait3A_111 = arith.constant 0 : i32
    %dma_wait3A_112 = arith.constant 0 : i32
    %dma_wait3A_113 = tpu.memref_slice %arg9[%dma_wait3A_108, %dma_wait3A_111, %dma_wait3A_112] : memref<2x128x128xf32, #tpu.memory_space<vmem>> -> memref<1x128x128xf32, #tpu.memory_space<vmem>>
    %dma_wait3A_114 = tpu.memref_squeeze %dma_wait3A_113 : memref<1x128x128xf32, #tpu.memory_space<vmem>> -> memref<128x128xf32, #tpu.memory_space<vmem>>
    %dma_wait3A_115 = arith.constant 0 : i32
    %dma_wait3A_116 = tpu.memref_slice %arg8[%dma_wait3A_109, %dma_wait3A_115] : memref<56x128xi32, #tpu.memory_space<vmem>> -> memref<1x128xi32, #tpu.memory_space<vmem>>
    %dma_wait3A_117 = tpu.memref_squeeze %dma_wait3A_116 : memref<1x128xi32, #tpu.memory_space<vmem>> -> memref<128xi32, #tpu.memory_space<vmem>>
    %dma_wait3A_118 = arith.constant 0 : i32
    %dma_wait3A_119 = arith.constant 0 : i32
    %dma_wait3A_120 = tpu.memref_slice %arg6[%dma_wait3A_118, %dma_wait3A_119] : memref<10240x128xf32, #tpu.memory_space<vmem_shared>> -> memref<10240x128xf32, #tpu.memory_space<vmem_shared>>
    %dma_wait3A_121 = tpu.memref_slice %arg11[%dma_wait3A_110] : memref<2x!tpu.dma_semaphore, #tpu.memory_space<semaphore_mem>> -> memref<1x!tpu.dma_semaphore, #tpu.memory_space<semaphore_mem>>
    %dma_wait3A_122 = tpu.memref_squeeze %dma_wait3A_121 : memref<1x!tpu.dma_semaphore, #tpu.memory_space<semaphore_mem>> -> memref<!tpu.dma_semaphore, #tpu.memory_space<semaphore_mem>>
    tpu.wait_indirect_dma semaphore(%dma_wait3A_122 : memref<!tpu.dma_semaphore, #tpu.memory_space<semaphore_mem>>) src(%dma_wait3A_114 : memref<128x128xf32, #tpu.memory_space<vmem>>) dst(%dma_wait3A_120 : memref<10240x128xf32, #tpu.memory_space<vmem_shared>>)
    %dma_wait3A_123 = arith.constant 1 : i32
    %dma_wait3A_124 = arith.constant 25 : i32
    %dma_wait3A_125 = arith.constant 1 : i32
    %dma_wait3A_126 = arith.constant 0 : i32
    %dma_wait3A_127 = arith.constant 0 : i32
    %dma_wait3A_128 = tpu.memref_slice %arg9[%dma_wait3A_123, %dma_wait3A_126, %dma_wait3A_127] : memref<2x128x128xf32, #tpu.memory_space<vmem>> -> memref<1x128x128xf32, #tpu.memory_space<vmem>>
    %dma_wait3A_129 = tpu.memref_squeeze %dma_wait3A_128 : memref<1x128x128xf32, #tpu.memory_space<vmem>> -> memref<128x128xf32, #tpu.memory_space<vmem>>
    %dma_wait3A_130 = arith.constant 0 : i32
    %dma_wait3A_131 = tpu.memref_slice %arg8[%dma_wait3A_124, %dma_wait3A_130] : memref<56x128xi32, #tpu.memory_space<vmem>> -> memref<1x128xi32, #tpu.memory_space<vmem>>
    %dma_wait3A_132 = tpu.memref_squeeze %dma_wait3A_131 : memref<1x128xi32, #tpu.memory_space<vmem>> -> memref<128xi32, #tpu.memory_space<vmem>>
    %dma_wait3A_133 = arith.constant 0 : i32
    %dma_wait3A_134 = arith.constant 0 : i32
    %dma_wait3A_135 = tpu.memref_slice %arg6[%dma_wait3A_133, %dma_wait3A_134] : memref<10240x128xf32, #tpu.memory_space<vmem_shared>> -> memref<10240x128xf32, #tpu.memory_space<vmem_shared>>
    %dma_wait3A_136 = tpu.memref_slice %arg11[%dma_wait3A_125] : memref<2x!tpu.dma_semaphore, #tpu.memory_space<semaphore_mem>> -> memref<1x!tpu.dma_semaphore, #tpu.memory_space<semaphore_mem>>
    %dma_wait3A_137 = tpu.memref_squeeze %dma_wait3A_136 : memref<1x!tpu.dma_semaphore, #tpu.memory_space<semaphore_mem>> -> memref<!tpu.dma_semaphore, #tpu.memory_space<semaphore_mem>>
    tpu.wait_indirect_dma semaphore(%dma_wait3A_137 : memref<!tpu.dma_semaphore, #tpu.memory_space<semaphore_mem>>) src(%dma_wait3A_129 : memref<128x128xf32, #tpu.memory_space<vmem>>) dst(%dma_wait3A_135 : memref<10240x128xf32, #tpu.memory_space<vmem_shared>>)
    %barrier3A_138 = arith.constant 0 : index
    tpu.barrier barrier_id(%barrier3A_138)
    %scan3A_139 = arith.constant 0 : i32
    %scan3A_140 = arith.constant 5 : i32
    %scan3A_141 = arith.addi %scan3A_139, %scan3A_140 : i32
    %scan3A_142 = arith.constant 1 : i32
    scf.for %scan3A_144 = %scan3A_139 to %scan3A_141 step %scan3A_142  : i32 {
      %mul3A_145 = arith.constant 1 : i32
      %mul3A_146 = arith.muli %scan3A_144, %mul3A_145 : i32
      %add3A_147 = arith.constant 0 : i32
      %add3A_148 = arith.addi %add3A_147, %mul3A_146 : i32
      %mul3A_149 = arith.constant 640 : i32
      %mul3A_150 = arith.muli %arg1, %mul3A_149 : i32
      %mul3A_151 = arith.constant 128 : i32
      %mul3A_152 = arith.muli %add3A_148, %mul3A_151 : i32
      %add3A_153 = arith.addi %mul3A_150, %mul3A_152 : i32
      %run_scoped3A = arith.constant 0 : i32
      "tpu.region"() ({
        %run_scoped3A_155 = tpu.sem_alloc : memref<!tpu.dma_semaphore, #tpu.memory_space<semaphore_mem>>
        %dma_start3A_156 = arith.constant 0 : i32
        %dma_start3A_157 = arith.constant 0 : i32
        %dma_start3A_158 = tpu.memref_slice %arg9[%run_scoped3A, %dma_start3A_156, %dma_start3A_157] : memref<2x128x128xf32, #tpu.memory_space<vmem>> -> memref<1x128x128xf32, #tpu.memory_space<vmem>>
        %dma_start3A_159 = tpu.memref_squeeze %dma_start3A_158 : memref<1x128x128xf32, #tpu.memory_space<vmem>> -> memref<128x128xf32, #tpu.memory_space<vmem>>
        %dma_start3A_160 = arith.constant 0 : i32
        %dma_start3A_161 = tpu.memref_slice %arg6[%add3A_153, %dma_start3A_160] : memref<10240x128xf32, #tpu.memory_space<vmem_shared>> -> memref<128x128xf32, #tpu.memory_space<vmem_shared>>
        %dma_start3A_162 = arith.constant 0 : i32
        %dma_start3A_163 = arith.constant 0 : i32
        %dma_start3A_164 = tpu.memref_slice %arg9[%run_scoped3A, %dma_start3A_162, %dma_start3A_163] : memref<2x128x128xf32, #tpu.memory_space<vmem>> -> memref<1x128x128xf32, #tpu.memory_space<vmem>>
        %dma_start3A_165 = tpu.memref_squeeze %dma_start3A_164 : memref<1x128x128xf32, #tpu.memory_space<vmem>> -> memref<128x128xf32, #tpu.memory_space<vmem>>
        %dma_start3A_166 = arith.constant 0 : i32
        %dma_start3A_167 = tpu.memref_slice %arg6[%add3A_153, %dma_start3A_166] : memref<10240x128xf32, #tpu.memory_space<vmem_shared>> -> memref<128x128xf32, #tpu.memory_space<vmem_shared>>
        tpu.enqueue_dma source(%dma_start3A_167 : memref<128x128xf32, #tpu.memory_space<vmem_shared>>) target(%dma_start3A_165 : memref<128x128xf32, #tpu.memory_space<vmem>>) target_semaphore(%run_scoped3A_155 : memref<!tpu.dma_semaphore, #tpu.memory_space<semaphore_mem>>)
        %dma_wait3A_168 = arith.constant 0 : i32
        %dma_wait3A_169 = arith.constant 0 : i32
        %dma_wait3A_170 = tpu.memref_slice %arg9[%run_scoped3A, %dma_wait3A_168, %dma_wait3A_169] : memref<2x128x128xf32, #tpu.memory_space<vmem>> -> memref<1x128x128xf32, #tpu.memory_space<vmem>>
        %dma_wait3A_171 = tpu.memref_squeeze %dma_wait3A_170 : memref<1x128x128xf32, #tpu.memory_space<vmem>> -> memref<128x128xf32, #tpu.memory_space<vmem>>
        %dma_wait3A_172 = arith.constant 0 : i32
        %dma_wait3A_173 = tpu.memref_slice %arg6[%add3A_153, %dma_wait3A_172] : memref<10240x128xf32, #tpu.memory_space<vmem_shared>> -> memref<128x128xf32, #tpu.memory_space<vmem_shared>>
        %dma_wait3A_174 = arith.constant 0 : i32
        %dma_wait3A_175 = arith.constant 0 : i32
        %dma_wait3A_176 = tpu.memref_slice %arg9[%run_scoped3A, %dma_wait3A_174, %dma_wait3A_175] : memref<2x128x128xf32, #tpu.memory_space<vmem>> -> memref<1x128x128xf32, #tpu.memory_space<vmem>>
        %dma_wait3A_177 = tpu.memref_squeeze %dma_wait3A_176 : memref<1x128x128xf32, #tpu.memory_space<vmem>> -> memref<128x128xf32, #tpu.memory_space<vmem>>
        %dma_wait3A_178 = arith.constant 0 : i32
        %dma_wait3A_179 = tpu.memref_slice %arg6[%add3A_153, %dma_wait3A_178] : memref<10240x128xf32, #tpu.memory_space<vmem_shared>> -> memref<128x128xf32, #tpu.memory_space<vmem_shared>>
        tpu.wait_dma2 semaphore(%run_scoped3A_155 : memref<!tpu.dma_semaphore, #tpu.memory_space<semaphore_mem>>) src(%dma_wait3A_179 : memref<128x128xf32, #tpu.memory_space<vmem_shared>>) dst(%dma_wait3A_177 : memref<128x128xf32, #tpu.memory_space<vmem>>)
        tpu.yield
      }) : () -> ()
      %run_scoped3A_154 = arith.constant 0 : i32
      "tpu.region"() ({
        %run_scoped3A_155 = tpu.sem_alloc : memref<!tpu.dma_semaphore, #tpu.memory_space<semaphore_mem>>
        %dma_start3A_156 = arith.constant 0 : i32
        %dma_start3A_157 = arith.constant 0 : i32
        %dma_start3A_158 = tpu.memref_slice %arg9[%run_scoped3A_154, %dma_start3A_156, %dma_start3A_157] : memref<2x128x128xf32, #tpu.memory_space<vmem>> -> memref<1x128x128xf32, #tpu.memory_space<vmem>>
        %dma_start3A_159 = tpu.memref_squeeze %dma_start3A_158 : memref<1x128x128xf32, #tpu.memory_space<vmem>> -> memref<128x128xf32, #tpu.memory_space<vmem>>
        %dma_start3A_160 = arith.constant 0 : i32
        %dma_start3A_161 = tpu.memref_slice %arg5[%arg0, %add3A_153, %dma_start3A_160] : memref<2x10240x128xf32, #tpu.memory_space<hbm>> -> memref<1x128x128xf32, #tpu.memory_space<hbm>>
        %dma_start3A_162 = tpu.memref_squeeze %dma_start3A_161 : memref<1x128x128xf32, #tpu.memory_space<hbm>> -> memref<128x128xf32, #tpu.memory_space<hbm>>
        %dma_start3A_163 = arith.constant 0 : i32
        %dma_start3A_164 = tpu.memref_slice %arg5[%arg0, %add3A_153, %dma_start3A_163] : memref<2x10240x128xf32, #tpu.memory_space<hbm>> -> memref<1x128x128xf32, #tpu.memory_space<hbm>>
        %dma_start3A_165 = tpu.memref_squeeze %dma_start3A_164 : memref<1x128x128xf32, #tpu.memory_space<hbm>> -> memref<128x128xf32, #tpu.memory_space<hbm>>
        %dma_start3A_166 = arith.constant 0 : i32
        %dma_start3A_167 = arith.constant 0 : i32
        %dma_start3A_168 = tpu.memref_slice %arg9[%run_scoped3A_154, %dma_start3A_166, %dma_start3A_167] : memref<2x128x128xf32, #tpu.memory_space<vmem>> -> memref<1x128x128xf32, #tpu.memory_space<vmem>>
        %dma_start3A_169 = tpu.memref_squeeze %dma_start3A_168 : memref<1x128x128xf32, #tpu.memory_space<vmem>> -> memref<128x128xf32, #tpu.memory_space<vmem>>
        tpu.enqueue_dma source(%dma_start3A_169 : memref<128x128xf32, #tpu.memory_space<vmem>>) target(%dma_start3A_165 : memref<128x128xf32, #tpu.memory_space<hbm>>) target_semaphore(%run_scoped3A_155 : memref<!tpu.dma_semaphore, #tpu.memory_space<semaphore_mem>>)
        %dma_wait3A_170 = arith.constant 0 : i32
        %dma_wait3A_171 = arith.constant 0 : i32
        %dma_wait3A_172 = tpu.memref_slice %arg9[%run_scoped3A_154, %dma_wait3A_170, %dma_wait3A_171] : memref<2x128x128xf32, #tpu.memory_space<vmem>> -> memref<1x128x128xf32, #tpu.memory_space<vmem>>
        %dma_wait3A_173 = tpu.memref_squeeze %dma_wait3A_172 : memref<1x128x128xf32, #tpu.memory_space<vmem>> -> memref<128x128xf32, #tpu.memory_space<vmem>>
        %dma_wait3A_174 = arith.constant 0 : i32
        %dma_wait3A_175 = tpu.memref_slice %arg5[%arg0, %add3A_153, %dma_wait3A_174] : memref<2x10240x128xf32, #tpu.memory_space<hbm>> -> memref<1x128x128xf32, #tpu.memory_space<hbm>>
        %dma_wait3A_176 = tpu.memref_squeeze %dma_wait3A_175 : memref<1x128x128xf32, #tpu.memory_space<hbm>> -> memref<128x128xf32, #tpu.memory_space<hbm>>
        %dma_wait3A_177 = arith.constant 0 : i32
        %dma_wait3A_178 = tpu.memref_slice %arg5[%arg0, %add3A_153, %dma_wait3A_177] : memref<2x10240x128xf32, #tpu.memory_space<hbm>> -> memref<1x128x128xf32, #tpu.memory_space<hbm>>
        %dma_wait3A_179 = tpu.memref_squeeze %dma_wait3A_178 : memref<1x128x128xf32, #tpu.memory_space<hbm>> -> memref<128x128xf32, #tpu.memory_space<hbm>>
        %dma_wait3A_180 = arith.constant 0 : i32
        %dma_wait3A_181 = arith.constant 0 : i32
        %dma_wait3A_182 = tpu.memref_slice %arg9[%run_scoped3A_154, %dma_wait3A_180, %dma_wait3A_181] : memref<2x128x128xf32, #tpu.memory_space<vmem>> -> memref<1x128x128xf32, #tpu.memory_space<vmem>>
        %dma_wait3A_183 = tpu.memref_squeeze %dma_wait3A_182 : memref<1x128x128xf32, #tpu.memory_space<vmem>> -> memref<128x128xf32, #tpu.memory_space<vmem>>
        tpu.wait_dma2 semaphore(%run_scoped3A_155 : memref<!tpu.dma_semaphore, #tpu.memory_space<semaphore_mem>>) src(%dma_wait3A_183 : memref<128x128xf32, #tpu.memory_space<vmem>>) dst(%dma_wait3A_179 : memref<128x128xf32, #tpu.memory_space<hbm>>)
        tpu.yield
      }) : () -> ()
    }
    %scan3A_143 = arith.constant 5 : i32
    return
  }
}

#map = affine_map<(d0, d1) -> (0, 0, 0)>
#map1 = affine_map<(d0, d1) -> (0, 0)>
module attributes {stable_mosaic.version = 14 : i64} {
  func.func @_deg_kernel(%arg0: i32, %arg1: i32, %arg2: memref<32x82x128xi32, #tpu.memory_space<hbm>>, %arg3: memref<2x10240xf32, #tpu.memory_space<hbm>>, %arg4: memref<10240xf32, #tpu.memory_space<vmem_shared>>, %arg5: memref<82x128xi32, #tpu.memory_space<vmem>>, %arg6: memref<128xf32, #tpu.memory_space<vmem>>, %arg7: memref<640xf32, #tpu.memory_space<vmem>>, %arg8: memref<!tpu.dma_semaphore, #tpu.memory_space<semaphore_mem>>) attributes {dimension_semantics = [#tpu.dimension_semantics<core_parallel>, #tpu.dimension_semantics<subcore_parallel>], iteration_bounds = array<i64: 2, 16>, scalar_prefetch = 0 : i64, scratch_operands = 5 : i64, tpu.core_type = #tpu.core_type<sc_vector_subcore>, window_params = [{transform_indices = #map}, {transform_indices = #map1}]} {
    %mul3A = arith.constant 16 : i32
    %mul3A_0 = arith.muli %arg0, %mul3A : i32
    %add3A = arith.addi %mul3A_0, %arg1 : i32
    %scan3A = arith.constant 0 : i32
    %scan3A_1 = arith.constant 40 : i32
    %scan3A_2 = arith.addi %scan3A, %scan3A_1 : i32
    %scan3A_3 = arith.constant 1 : i32
    scf.for %scan3A_25 = %scan3A to %scan3A_2 step %scan3A_3  : i32 {
      %mul3A_26 = arith.constant 16 : i32
      %mul3A_27 = arith.muli %scan3A_25, %mul3A_26 : i32
      %add3A_28 = arith.constant 0 : i32
      %add3A_29 = arith.addi %add3A_28, %mul3A_27 : i32
      %broadcast_in_dim3A = arith.constant 0.000000e+00 : f32
      %broadcast_in_dim3A_30 = vector.broadcast %broadcast_in_dim3A : f32 to vector<16xf32>
      %swap3A = arith.index_cast %add3A_29 : i32 to index
      %swap3A_31 = tpu.vector_load %arg7[%swap3A] {strides = array<i32>} : memref<640xf32, #tpu.memory_space<vmem>>, vector<16xf32>,
      %swap3A_32 = vector.shape_cast %swap3A_31 : vector<16xf32> to vector<16xf32>
      %swap3A_33 = vector.shape_cast %broadcast_in_dim3A_30 : vector<16xf32> to vector<16xf32>
      tpu.vector_store %arg7[%swap3A], %swap3A_33 {strides = array<i32>} : memref<640xf32, #tpu.memory_space<vmem>>, vector<16xf32>,
    }
    %scan3A_4 = arith.constant 40 : i32
    %scan3A_5 = arith.constant 0 : i32
    %scan3A_6 = arith.constant 8 : i32
    %scan3A_7 = arith.addi %scan3A_5, %scan3A_6 : i32
    %scan3A_8 = arith.constant 1 : i32
    scf.for %scan3A_25 = %scan3A_5 to %scan3A_7 step %scan3A_8  : i32 {
      %mul3A_26 = arith.constant 16 : i32
      %mul3A_27 = arith.muli %scan3A_25, %mul3A_26 : i32
      %add3A_28 = arith.constant 0 : i32
      %add3A_29 = arith.addi %add3A_28, %mul3A_27 : i32
      %broadcast_in_dim3A = arith.constant 1.000000e+00 : f32
      %broadcast_in_dim3A_30 = vector.broadcast %broadcast_in_dim3A : f32 to vector<16xf32>
      %swap3A = arith.index_cast %add3A_29 : i32 to index
      %swap3A_31 = tpu.vector_load %arg6[%swap3A] {strides = array<i32>} : memref<128xf32, #tpu.memory_space<vmem>>, vector<16xf32>,
      %swap3A_32 = vector.shape_cast %swap3A_31 : vector<16xf32> to vector<16xf32>
      %swap3A_33 = vector.shape_cast %broadcast_in_dim3A_30 : vector<16xf32> to vector<16xf32>
      tpu.vector_store %arg6[%swap3A], %swap3A_33 {strides = array<i32>} : memref<128xf32, #tpu.memory_space<vmem>>, vector<16xf32>,
    }
    %scan3A_9 = arith.constant 8 : i32
    %mul3A_10 = arith.constant 640 : i32
    %mul3A_11 = arith.muli %arg1, %mul3A_10 : i32
    "tpu.region"() ({
      %run_scoped3A = tpu.sem_alloc : memref<!tpu.dma_semaphore, #tpu.memory_space<semaphore_mem>>
      %dma_start3A = tpu.memref_slice %arg4[%mul3A_11] : memref<10240xf32, #tpu.memory_space<vmem_shared>> -> memref<640xf32, #tpu.memory_space<vmem_shared>>
      %dma_start3A_25 = tpu.memref_slice %arg4[%mul3A_11] : memref<10240xf32, #tpu.memory_space<vmem_shared>> -> memref<640xf32, #tpu.memory_space<vmem_shared>>
      tpu.enqueue_dma source(%arg7 : memref<640xf32, #tpu.memory_space<vmem>>) target(%dma_start3A_25 : memref<640xf32, #tpu.memory_space<vmem_shared>>) target_semaphore(%run_scoped3A : memref<!tpu.dma_semaphore, #tpu.memory_space<semaphore_mem>>)
      %dma_wait3A = tpu.memref_slice %arg4[%mul3A_11] : memref<10240xf32, #tpu.memory_space<vmem_shared>> -> memref<640xf32, #tpu.memory_space<vmem_shared>>
      %dma_wait3A_26 = tpu.memref_slice %arg4[%mul3A_11] : memref<10240xf32, #tpu.memory_space<vmem_shared>> -> memref<640xf32, #tpu.memory_space<vmem_shared>>
      tpu.wait_dma2 semaphore(%run_scoped3A : memref<!tpu.dma_semaphore, #tpu.memory_space<semaphore_mem>>) src(%arg7 : memref<640xf32, #tpu.memory_space<vmem>>) dst(%dma_wait3A_26 : memref<640xf32, #tpu.memory_space<vmem_shared>>)
      tpu.yield
    }) : () -> ()
    "tpu.region"() ({
      %run_scoped3A = tpu.sem_alloc : memref<!tpu.dma_semaphore, #tpu.memory_space<semaphore_mem>>
      %dma_start3A = arith.constant 0 : i32
      %dma_start3A_25 = arith.constant 0 : i32
      %dma_start3A_26 = tpu.memref_slice %arg2[%add3A, %dma_start3A, %dma_start3A_25] : memref<32x82x128xi32, #tpu.memory_space<hbm>> -> memref<1x82x128xi32, #tpu.memory_space<hbm>>
      %dma_start3A_27 = tpu.memref_squeeze %dma_start3A_26 : memref<1x82x128xi32, #tpu.memory_space<hbm>> -> memref<82x128xi32, #tpu.memory_space<hbm>>
      %dma_start3A_28 = arith.constant 0 : i32
      %dma_start3A_29 = arith.constant 0 : i32
      %dma_start3A_30 = tpu.memref_slice %arg2[%add3A, %dma_start3A_28, %dma_start3A_29] : memref<32x82x128xi32, #tpu.memory_space<hbm>> -> memref<1x82x128xi32, #tpu.memory_space<hbm>>
      %dma_start3A_31 = tpu.memref_squeeze %dma_start3A_30 : memref<1x82x128xi32, #tpu.memory_space<hbm>> -> memref<82x128xi32, #tpu.memory_space<hbm>>
      tpu.enqueue_dma source(%dma_start3A_31 : memref<82x128xi32, #tpu.memory_space<hbm>>) target(%arg5 : memref<82x128xi32, #tpu.memory_space<vmem>>) target_semaphore(%run_scoped3A : memref<!tpu.dma_semaphore, #tpu.memory_space<semaphore_mem>>)
      %dma_wait3A = arith.constant 0 : i32
      %dma_wait3A_32 = arith.constant 0 : i32
      %dma_wait3A_33 = tpu.memref_slice %arg2[%add3A, %dma_wait3A, %dma_wait3A_32] : memref<32x82x128xi32, #tpu.memory_space<hbm>> -> memref<1x82x128xi32, #tpu.memory_space<hbm>>
      %dma_wait3A_34 = tpu.memref_squeeze %dma_wait3A_33 : memref<1x82x128xi32, #tpu.memory_space<hbm>> -> memref<82x128xi32, #tpu.memory_space<hbm>>
      %dma_wait3A_35 = arith.constant 0 : i32
      %dma_wait3A_36 = arith.constant 0 : i32
      %dma_wait3A_37 = tpu.memref_slice %arg2[%add3A, %dma_wait3A_35, %dma_wait3A_36] : memref<32x82x128xi32, #tpu.memory_space<hbm>> -> memref<1x82x128xi32, #tpu.memory_space<hbm>>
      %dma_wait3A_38 = tpu.memref_squeeze %dma_wait3A_37 : memref<1x82x128xi32, #tpu.memory_space<hbm>> -> memref<82x128xi32, #tpu.memory_space<hbm>>
      tpu.wait_dma2 semaphore(%run_scoped3A : memref<!tpu.dma_semaphore, #tpu.memory_space<semaphore_mem>>) src(%dma_wait3A_38 : memref<82x128xi32, #tpu.memory_space<hbm>>) dst(%arg5 : memref<82x128xi32, #tpu.memory_space<vmem>>)
      tpu.yield
    }) : () -> ()
    %barrier3A = arith.constant 0 : index
    tpu.barrier barrier_id(%barrier3A)
    %scan3A_12 = arith.constant 0 : i32
    %scan3A_13 = arith.constant 82 : i32
    %scan3A_14 = arith.addi %scan3A_12, %scan3A_13 : i32
    %scan3A_15 = arith.constant 1 : i32
    scf.for %scan3A_25 = %scan3A_12 to %scan3A_14 step %scan3A_15  : i32 {
      %mul3A_26 = arith.constant 1 : i32
      %mul3A_27 = arith.muli %scan3A_25, %mul3A_26 : i32
      %add3A_28 = arith.constant 0 : i32
      %add3A_29 = arith.addi %add3A_28, %mul3A_27 : i32
      %dma_start3A = arith.constant 0 : i32
      %dma_start3A_30 = tpu.memref_slice %arg5[%add3A_29, %dma_start3A] : memref<82x128xi32, #tpu.memory_space<vmem>> -> memref<1x128xi32, #tpu.memory_space<vmem>>
      %dma_start3A_31 = tpu.memref_squeeze %dma_start3A_30 : memref<1x128xi32, #tpu.memory_space<vmem>> -> memref<128xi32, #tpu.memory_space<vmem>>
      %dma_start3A_32 = arith.constant 0 : i32
      %dma_start3A_33 = tpu.memref_slice %arg4[%dma_start3A_32] : memref<10240xf32, #tpu.memory_space<vmem_shared>> -> memref<10240xf32, #tpu.memory_space<vmem_shared>>
      tpu.enqueue_indirect_dma source(%arg6 : memref<128xf32, #tpu.memory_space<vmem>>) target(%dma_start3A_33 : memref<10240xf32, #tpu.memory_space<vmem_shared>>) offsets(%dma_start3A_31 : memref<128xi32, #tpu.memory_space<vmem>>) semaphore(%arg8 : memref<!tpu.dma_semaphore, #tpu.memory_space<semaphore_mem>>) {add = true}
    }
    %scan3A_16 = arith.constant 82 : i32
    %scan3A_17 = arith.constant 0 : i32
    %scan3A_18 = arith.constant 82 : i32
    %scan3A_19 = arith.addi %scan3A_17, %scan3A_18 : i32
    %scan3A_20 = arith.constant 1 : i32
    scf.for %scan3A_25 = %scan3A_17 to %scan3A_19 step %scan3A_20  : i32 {
      %mul3A_26 = arith.constant 1 : i32
      %mul3A_27 = arith.muli %scan3A_25, %mul3A_26 : i32
      %add3A_28 = arith.constant 0 : i32
      %add3A_29 = arith.addi %add3A_28, %mul3A_27 : i32
      %dma_wait3A = arith.constant 0 : i32
      %dma_wait3A_30 = tpu.memref_slice %arg5[%add3A_29, %dma_wait3A] : memref<82x128xi32, #tpu.memory_space<vmem>> -> memref<1x128xi32, #tpu.memory_space<vmem>>
      %dma_wait3A_31 = tpu.memref_squeeze %dma_wait3A_30 : memref<1x128xi32, #tpu.memory_space<vmem>> -> memref<128xi32, #tpu.memory_space<vmem>>
      %dma_wait3A_32 = arith.constant 0 : i32
      %dma_wait3A_33 = tpu.memref_slice %arg4[%dma_wait3A_32] : memref<10240xf32, #tpu.memory_space<vmem_shared>> -> memref<10240xf32, #tpu.memory_space<vmem_shared>>
      tpu.wait_indirect_dma semaphore(%arg8 : memref<!tpu.dma_semaphore, #tpu.memory_space<semaphore_mem>>) src(%arg6 : memref<128xf32, #tpu.memory_space<vmem>>) dst(%dma_wait3A_33 : memref<10240xf32, #tpu.memory_space<vmem_shared>>)
    }
    %scan3A_21 = arith.constant 82 : i32
    %barrier3A_22 = arith.constant 0 : index
    tpu.barrier barrier_id(%barrier3A_22)
    %mul3A_23 = arith.constant 640 : i32
    %mul3A_24 = arith.muli %arg1, %mul3A_23 : i32
    "tpu.region"() ({
      %run_scoped3A = tpu.sem_alloc : memref<!tpu.dma_semaphore, #tpu.memory_space<semaphore_mem>>
      %dma_start3A = tpu.memref_slice %arg4[%mul3A_24] : memref<10240xf32, #tpu.memory_space<vmem_shared>> -> memref<640xf32, #tpu.memory_space<vmem_shared>>
      %dma_start3A_25 = tpu.memref_slice %arg4[%mul3A_24] : memref<10240xf32, #tpu.memory_space<vmem_shared>> -> memref<640xf32, #tpu.memory_space<vmem_shared>>
      tpu.enqueue_dma source(%dma_start3A_25 : memref<640xf32, #tpu.memory_space<vmem_shared>>) target(%arg7 : memref<640xf32, #tpu.memory_space<vmem>>) target_semaphore(%run_scoped3A : memref<!tpu.dma_semaphore, #tpu.memory_space<semaphore_mem>>)
      %dma_wait3A = tpu.memref_slice %arg4[%mul3A_24] : memref<10240xf32, #tpu.memory_space<vmem_shared>> -> memref<640xf32, #tpu.memory_space<vmem_shared>>
      %dma_wait3A_26 = tpu.memref_slice %arg4[%mul3A_24] : memref<10240xf32, #tpu.memory_space<vmem_shared>> -> memref<640xf32, #tpu.memory_space<vmem_shared>>
      tpu.wait_dma2 semaphore(%run_scoped3A : memref<!tpu.dma_semaphore, #tpu.memory_space<semaphore_mem>>) src(%dma_wait3A_26 : memref<640xf32, #tpu.memory_space<vmem_shared>>) dst(%arg7 : memref<640xf32, #tpu.memory_space<vmem>>)
      tpu.yield
    }) : () -> ()
    "tpu.region"() ({
      %run_scoped3A = tpu.sem_alloc : memref<!tpu.dma_semaphore, #tpu.memory_space<semaphore_mem>>
      %dma_start3A = tpu.memref_slice %arg3[%arg0, %mul3A_24] : memref<2x10240xf32, #tpu.memory_space<hbm>> -> memref<1x640xf32, #tpu.memory_space<hbm>>
      %dma_start3A_25 = tpu.memref_squeeze %dma_start3A : memref<1x640xf32, #tpu.memory_space<hbm>> -> memref<640xf32, #tpu.memory_space<hbm>>
      %dma_start3A_26 = tpu.memref_slice %arg3[%arg0, %mul3A_24] : memref<2x10240xf32, #tpu.memory_space<hbm>> -> memref<1x640xf32, #tpu.memory_space<hbm>>
      %dma_start3A_27 = tpu.memref_squeeze %dma_start3A_26 : memref<1x640xf32, #tpu.memory_space<hbm>> -> memref<640xf32, #tpu.memory_space<hbm>>
      tpu.enqueue_dma source(%arg7 : memref<640xf32, #tpu.memory_space<vmem>>) target(%dma_start3A_27 : memref<640xf32, #tpu.memory_space<hbm>>) target_semaphore(%run_scoped3A : memref<!tpu.dma_semaphore, #tpu.memory_space<semaphore_mem>>)
      %dma_wait3A = tpu.memref_slice %arg3[%arg0, %mul3A_24] : memref<2x10240xf32, #tpu.memory_space<hbm>> -> memref<1x640xf32, #tpu.memory_space<hbm>>
      %dma_wait3A_28 = tpu.memref_squeeze %dma_wait3A : memref<1x640xf32, #tpu.memory_space<hbm>> -> memref<640xf32, #tpu.memory_space<hbm>>
      %dma_wait3A_29 = tpu.memref_slice %arg3[%arg0, %mul3A_24] : memref<2x10240xf32, #tpu.memory_space<hbm>> -> memref<1x640xf32, #tpu.memory_space<hbm>>
      %dma_wait3A_30 = tpu.memref_squeeze %dma_wait3A_29 : memref<1x640xf32, #tpu.memory_space<hbm>> -> memref<640xf32, #tpu.memory_space<hbm>>
      tpu.wait_dma2 semaphore(%run_scoped3A : memref<!tpu.dma_semaphore, #tpu.memory_space<semaphore_mem>>) src(%arg7 : memref<640xf32, #tpu.memory_space<vmem>>) dst(%dma_wait3A_30 : memref<640xf32, #tpu.memory_space<hbm>>)
      tpu.yield
    }) : () -> ()
    return
  }
}

module attributes {stable_mosaic.version = 14 : i64} {
  func.func @_prep_body(%arg0: i32, %arg1: memref<2048x128xf32, #tpu.memory_space<vmem>>, %arg2: memref<2x16x128xf32, #tpu.memory_space<vmem>>, %arg3: memref<128x128xf32, #tpu.memory_space<vmem>>, %arg4: memref<128x128xf32, #tpu.memory_space<vmem>>, %arg5: memref<128x128xf32, #tpu.memory_space<vmem>>, %arg6: memref<1x128xf32, #tpu.memory_space<vmem>>, %arg7: memref<1x128xf32, #tpu.memory_space<vmem>>, %arg8: memref<2048x128xf32, #tpu.memory_space<vmem>>) attributes {dimension_semantics = [#tpu.dimension_semantics<arbitrary>], iteration_bounds = array<i64: 5>, scalar_prefetch = 0 : i64, scratch_operands = 0 : i64, tpu.core_type = #tpu.core_type<tc>, window_params = [{transform_indices = @transform_0, window_bounds = array<i64: 2048, 128>}, {transform_indices = @transform_1, window_bounds = array<i64: 2, 16, 128>}, {pipeline_mode = #tpu.pipeline_mode<synchronous>, transform_indices = @transform_2, window_bounds = array<i64: 128, 128>}, {pipeline_mode = #tpu.pipeline_mode<synchronous>, transform_indices = @transform_3, window_bounds = array<i64: 128, 128>}, {pipeline_mode = #tpu.pipeline_mode<synchronous>, transform_indices = @transform_4, window_bounds = array<i64: 128, 128>}, {pipeline_mode = #tpu.pipeline_mode<synchronous>, transform_indices = @transform_5, window_bounds = array<i64: 1, 128>}, {pipeline_mode = #tpu.pipeline_mode<synchronous>, transform_indices = @transform_6, window_bounds = array<i64: 1, 128>}, {transform_indices = @transform_7, window_bounds = array<i64: 2048, 128>}]} {
    %get3A = arith.constant 0 : index
    %get3A_0 = arith.constant 0 : index
    %get3A_1 = vector.load %arg3[%get3A, %get3A_0] : memref<128x128xf32, #tpu.memory_space<vmem>>, vector<128x128xf32>
    %get3A_2 = arith.constant 0 : index
    %get3A_3 = arith.constant 0 : index
    %get3A_4 = vector.load %arg4[%get3A_2, %get3A_3] : memref<128x128xf32, #tpu.memory_space<vmem>>, vector<128x128xf32>
    %add3A = arith.addf %get3A_1, %get3A_4 : vector<128x128xf32>
    %mul3A = arith.constant 5.000000e-01 : f32
    %mul3A_5 = vector.broadcast %mul3A : f32 to vector<128x128xf32>
    %mul3A_6 = arith.mulf %mul3A_5, %add3A : vector<128x128xf32>
    %get3A_7 = arith.constant 0 : index
    %get3A_8 = arith.constant 0 : index
    %get3A_9 = vector.load %arg5[%get3A_7, %get3A_8] : memref<128x128xf32, #tpu.memory_space<vmem>>, vector<128x128xf32>
    %dot_general3A = arith.constant dense<0.000000e+00> : vector<128x128xf32>
    %dot_general3A_10 = tpu.matmul %mul3A_6, %get3A_9, %dot_general3A {dimension_numbers = #tpu.dot_dimension_numbers<[1], [0], [0], [1], [0, 0, 1, 1], [], []>, transpose_lhs_hint = false} : vector<128x128xf32>, vector<128x128xf32>, vector<128x128xf32> -> vector<128x128xf32>
    %get3A_11 = arith.constant 0 : index
    %get3A_12 = arith.constant 0 : index
    %get3A_13 = vector.load %arg6[%get3A_11, %get3A_12] : memref<1x128xf32, #tpu.memory_space<vmem>>, vector<1x128xf32>
    %get3A_14 = arith.constant 0 : index
    %get3A_15 = arith.constant 0 : index
    %get3A_16 = vector.load %arg7[%get3A_14, %get3A_15] : memref<1x128xf32, #tpu.memory_space<vmem>>, vector<1x128xf32>
    %add3A_17 = arith.addf %get3A_13, %get3A_16 : vector<1x128xf32>
    %mul3A_18 = arith.constant 5.000000e-01 : f32
    %mul3A_19 = vector.broadcast %mul3A_18 : f32 to vector<1x128xf32>
    %mul3A_20 = arith.mulf %mul3A_19, %add3A_17 : vector<1x128xf32>
    %get3A_21 = arith.constant 0 : index
    %get3A_22 = arith.constant 0 : index
    %get3A_23 = vector.load %arg5[%get3A_21, %get3A_22] : memref<128x128xf32, #tpu.memory_space<vmem>>, vector<128x128xf32>
    %dot_general3A_24 = arith.constant dense<0.000000e+00> : vector<1x128xf32>
    %dot_general3A_25 = tpu.matmul %mul3A_20, %get3A_23, %dot_general3A_24 {dimension_numbers = #tpu.dot_dimension_numbers<[1], [0], [0], [1], [0, 0, 1, 1], [], []>, transpose_lhs_hint = false} : vector<1x128xf32>, vector<128x128xf32>, vector<1x128xf32> -> vector<1x128xf32>
    %get3A_26 = arith.constant 0 : index
    %get3A_27 = arith.constant 0 : index
    %get3A_28 = vector.load %arg1[%get3A_26, %get3A_27] : memref<2048x128xf32, #tpu.memory_space<vmem>>, vector<2048x128xf32>
    %dot_general3A_29 = arith.constant dense<0.000000e+00> : vector<2048x128xf32>
    %dot_general3A_30 = tpu.matmul %get3A_28, %dot_general3A_10, %dot_general3A_29 {dimension_numbers = #tpu.dot_dimension_numbers<[1], [0], [0], [1], [0, 0, 1, 1], [], []>, transpose_lhs_hint = false} : vector<2048x128xf32>, vector<128x128xf32>, vector<2048x128xf32> -> vector<2048x128xf32>
    %add3A_31 = vector.broadcast %dot_general3A_25 : vector<1x128xf32> to vector<2048x128xf32>
    %add3A_32 = arith.addf %dot_general3A_30, %add3A_31 : vector<2048x128xf32>
    %get3A_33 = arith.constant 0 : index
    %get3A_34 = arith.constant 0 : index
    %get3A_35 = arith.constant 0 : index
    %get3A_36 = vector.load %arg2[%get3A_33, %get3A_34, %get3A_35] : memref<2x16x128xf32, #tpu.memory_space<vmem>>, vector<2x16x128xf32>
    %slice3A = vector.extract_strided_slice %get3A_36 {offsets = [0, 0, 0], sizes = [1, 16, 128], strides = [1, 1, 1]} : vector<2x16x128xf32> to vector<1x16x128xf32>
    %squeeze3A = vector.shape_cast %slice3A : vector<1x16x128xf32> to vector<16x128xf32>
    %slice3A_37 = vector.extract_strided_slice %get3A_36 {offsets = [1, 0, 0], sizes = [1, 16, 128], strides = [1, 1, 1]} : vector<2x16x128xf32> to vector<1x16x128xf32>
    %squeeze3A_38 = vector.shape_cast %slice3A_37 : vector<1x16x128xf32> to vector<16x128xf32>
    %add3A_39 = arith.addf %squeeze3A, %squeeze3A_38 : vector<16x128xf32>
    %gt3A = arith.constant 0.000000e+00 : f32
    %gt3A_40 = vector.broadcast %gt3A : f32 to vector<16x128xf32>
    %gt3A_41 = arith.cmpf ogt, %add3A_39, %gt3A_40 : vector<16x128xf32>
    %rsqrt3A = math.rsqrt %add3A_39 : vector<16x128xf32>
    %jit3A = arith.constant 0.000000e+00 : f32
    %broadcast_in_dim3A = vector.broadcast %jit3A : f32 to vector<16x128xf32>
    %select_n3A = arith.select %gt3A_41, %rsqrt3A, %broadcast_in_dim3A : vector<16x128xi1>, vector<16x128xf32>
    %broadcast_in_dim3A_42 = arith.constant 1.000000e+00 : f32
    %broadcast_in_dim3A_43 = vector.broadcast %broadcast_in_dim3A_42 : f32 to vector<1x128xf32>
    %slice3A_44 = vector.extract_strided_slice %select_n3A {offsets = [0, 0], sizes = [1, 128], strides = [1, 1]} : vector<16x128xf32> to vector<1x128xf32>
    %dot_general3A_45 = arith.constant dense<0.000000e+00> : vector<128x128xf32>
    %dot_general3A_46 = tpu.matmul %slice3A_44, %broadcast_in_dim3A_43, %dot_general3A_45 {dimension_numbers = #tpu.dot_dimension_numbers<[0], [0], [1], [1], [0, 1, 1, 1], [], []>, transpose_lhs_hint = false} : vector<1x128xf32>, vector<1x128xf32>, vector<128x128xf32> -> vector<128x128xf32>
    %slice3A_47 = vector.extract_strided_slice %select_n3A {offsets = [1, 0], sizes = [1, 128], strides = [1, 1]} : vector<16x128xf32> to vector<1x128xf32>
    %dot_general3A_48 = arith.constant dense<0.000000e+00> : vector<128x128xf32>
    %dot_general3A_49 = tpu.matmul %slice3A_47, %broadcast_in_dim3A_43, %dot_general3A_48 {dimension_numbers = #tpu.dot_dimension_numbers<[0], [0], [1], [1], [0, 1, 1, 1], [], []>, transpose_lhs_hint = false} : vector<1x128xf32>, vector<1x128xf32>, vector<128x128xf32> -> vector<128x128xf32>
    %slice3A_50 = vector.extract_strided_slice %select_n3A {offsets = [2, 0], sizes = [1, 128], strides = [1, 1]} : vector<16x128xf32> to vector<1x128xf32>
    %dot_general3A_51 = arith.constant dense<0.000000e+00> : vector<128x128xf32>
    %dot_general3A_52 = tpu.matmul %slice3A_50, %broadcast_in_dim3A_43, %dot_general3A_51 {dimension_numbers = #tpu.dot_dimension_numbers<[0], [0], [1], [1], [0, 1, 1, 1], [], []>, transpose_lhs_hint = false} : vector<1x128xf32>, vector<1x128xf32>, vector<128x128xf32> -> vector<128x128xf32>
    %slice3A_53 = vector.extract_strided_slice %select_n3A {offsets = [3, 0], sizes = [1, 128], strides = [1, 1]} : vector<16x128xf32> to vector<1x128xf32>
    %dot_general3A_54 = arith.constant dense<0.000000e+00> : vector<128x128xf32>
    %dot_general3A_55 = tpu.matmul %slice3A_53, %broadcast_in_dim3A_43, %dot_general3A_54 {dimension_numbers = #tpu.dot_dimension_numbers<[0], [0], [1], [1], [0, 1, 1, 1], [], []>, transpose_lhs_hint = false} : vector<1x128xf32>, vector<1x128xf32>, vector<128x128xf32> -> vector<128x128xf32>
    %slice3A_56 = vector.extract_strided_slice %select_n3A {offsets = [4, 0], sizes = [1, 128], strides = [1, 1]} : vector<16x128xf32> to vector<1x128xf32>
    %dot_general3A_57 = arith.constant dense<0.000000e+00> : vector<128x128xf32>
    %dot_general3A_58 = tpu.matmul %slice3A_56, %broadcast_in_dim3A_43, %dot_general3A_57 {dimension_numbers = #tpu.dot_dimension_numbers<[0], [0], [1], [1], [0, 1, 1, 1], [], []>, transpose_lhs_hint = false} : vector<1x128xf32>, vector<1x128xf32>, vector<128x128xf32> -> vector<128x128xf32>
    %slice3A_59 = vector.extract_strided_slice %select_n3A {offsets = [5, 0], sizes = [1, 128], strides = [1, 1]} : vector<16x128xf32> to vector<1x128xf32>
    %dot_general3A_60 = arith.constant dense<0.000000e+00> : vector<128x128xf32>
    %dot_general3A_61 = tpu.matmul %slice3A_59, %broadcast_in_dim3A_43, %dot_general3A_60 {dimension_numbers = #tpu.dot_dimension_numbers<[0], [0], [1], [1], [0, 1, 1, 1], [], []>, transpose_lhs_hint = false} : vector<1x128xf32>, vector<1x128xf32>, vector<128x128xf32> -> vector<128x128xf32>
    %slice3A_62 = vector.extract_strided_slice %select_n3A {offsets = [6, 0], sizes = [1, 128], strides = [1, 1]} : vector<16x128xf32> to vector<1x128xf32>
    %dot_general3A_63 = arith.constant dense<0.000000e+00> : vector<128x128xf32>
    %dot_general3A_64 = tpu.matmul %slice3A_62, %broadcast_in_dim3A_43, %dot_general3A_63 {dimension_numbers = #tpu.dot_dimension_numbers<[0], [0], [1], [1], [0, 1, 1, 1], [], []>, transpose_lhs_hint = false} : vector<1x128xf32>, vector<1x128xf32>, vector<128x128xf32> -> vector<128x128xf32>
    %slice3A_65 = vector.extract_strided_slice %select_n3A {offsets = [7, 0], sizes = [1, 128], strides = [1, 1]} : vector<16x128xf32> to vector<1x128xf32>
    %dot_general3A_66 = arith.constant dense<0.000000e+00> : vector<128x128xf32>
    %dot_general3A_67 = tpu.matmul %slice3A_65, %broadcast_in_dim3A_43, %dot_general3A_66 {dimension_numbers = #tpu.dot_dimension_numbers<[0], [0], [1], [1], [0, 1, 1, 1], [], []>, transpose_lhs_hint = false} : vector<1x128xf32>, vector<1x128xf32>, vector<128x128xf32> -> vector<128x128xf32>
    %slice3A_68 = vector.extract_strided_slice %select_n3A {offsets = [8, 0], sizes = [1, 128], strides = [1, 1]} : vector<16x128xf32> to vector<1x128xf32>
    %dot_general3A_69 = arith.constant dense<0.000000e+00> : vector<128x128xf32>
    %dot_general3A_70 = tpu.matmul %slice3A_68, %broadcast_in_dim3A_43, %dot_general3A_69 {dimension_numbers = #tpu.dot_dimension_numbers<[0], [0], [1], [1], [0, 1, 1, 1], [], []>, transpose_lhs_hint = false} : vector<1x128xf32>, vector<1x128xf32>, vector<128x128xf32> -> vector<128x128xf32>
    %slice3A_71 = vector.extract_strided_slice %select_n3A {offsets = [9, 0], sizes = [1, 128], strides = [1, 1]} : vector<16x128xf32> to vector<1x128xf32>
    %dot_general3A_72 = arith.constant dense<0.000000e+00> : vector<128x128xf32>
    %dot_general3A_73 = tpu.matmul %slice3A_71, %broadcast_in_dim3A_43, %dot_general3A_72 {dimension_numbers = #tpu.dot_dimension_numbers<[0], [0], [1], [1], [0, 1, 1, 1], [], []>, transpose_lhs_hint = false} : vector<1x128xf32>, vector<1x128xf32>, vector<128x128xf32> -> vector<128x128xf32>
    %slice3A_74 = vector.extract_strided_slice %select_n3A {offsets = [10, 0], sizes = [1, 128], strides = [1, 1]} : vector<16x128xf32> to vector<1x128xf32>
    %dot_general3A_75 = arith.constant dense<0.000000e+00> : vector<128x128xf32>
    %dot_general3A_76 = tpu.matmul %slice3A_74, %broadcast_in_dim3A_43, %dot_general3A_75 {dimension_numbers = #tpu.dot_dimension_numbers<[0], [0], [1], [1], [0, 1, 1, 1], [], []>, transpose_lhs_hint = false} : vector<1x128xf32>, vector<1x128xf32>, vector<128x128xf32> -> vector<128x128xf32>
    %slice3A_77 = vector.extract_strided_slice %select_n3A {offsets = [11, 0], sizes = [1, 128], strides = [1, 1]} : vector<16x128xf32> to vector<1x128xf32>
    %dot_general3A_78 = arith.constant dense<0.000000e+00> : vector<128x128xf32>
    %dot_general3A_79 = tpu.matmul %slice3A_77, %broadcast_in_dim3A_43, %dot_general3A_78 {dimension_numbers = #tpu.dot_dimension_numbers<[0], [0], [1], [1], [0, 1, 1, 1], [], []>, transpose_lhs_hint = false} : vector<1x128xf32>, vector<1x128xf32>, vector<128x128xf32> -> vector<128x128xf32>
    %slice3A_80 = vector.extract_strided_slice %select_n3A {offsets = [12, 0], sizes = [1, 128], strides = [1, 1]} : vector<16x128xf32> to vector<1x128xf32>
    %dot_general3A_81 = arith.constant dense<0.000000e+00> : vector<128x128xf32>
    %dot_general3A_82 = tpu.matmul %slice3A_80, %broadcast_in_dim3A_43, %dot_general3A_81 {dimension_numbers = #tpu.dot_dimension_numbers<[0], [0], [1], [1], [0, 1, 1, 1], [], []>, transpose_lhs_hint = false} : vector<1x128xf32>, vector<1x128xf32>, vector<128x128xf32> -> vector<128x128xf32>
    %slice3A_83 = vector.extract_strided_slice %select_n3A {offsets = [13, 0], sizes = [1, 128], strides = [1, 1]} : vector<16x128xf32> to vector<1x128xf32>
    %dot_general3A_84 = arith.constant dense<0.000000e+00> : vector<128x128xf32>
    %dot_general3A_85 = tpu.matmul %slice3A_83, %broadcast_in_dim3A_43, %dot_general3A_84 {dimension_numbers = #tpu.dot_dimension_numbers<[0], [0], [1], [1], [0, 1, 1, 1], [], []>, transpose_lhs_hint = false} : vector<1x128xf32>, vector<1x128xf32>, vector<128x128xf32> -> vector<128x128xf32>
    %slice3A_86 = vector.extract_strided_slice %select_n3A {offsets = [14, 0], sizes = [1, 128], strides = [1, 1]} : vector<16x128xf32> to vector<1x128xf32>
    %dot_general3A_87 = arith.constant dense<0.000000e+00> : vector<128x128xf32>
    %dot_general3A_88 = tpu.matmul %slice3A_86, %broadcast_in_dim3A_43, %dot_general3A_87 {dimension_numbers = #tpu.dot_dimension_numbers<[0], [0], [1], [1], [0, 1, 1, 1], [], []>, transpose_lhs_hint = false} : vector<1x128xf32>, vector<1x128xf32>, vector<128x128xf32> -> vector<128x128xf32>
    %slice3A_89 = vector.extract_strided_slice %select_n3A {offsets = [15, 0], sizes = [1, 128], strides = [1, 1]} : vector<16x128xf32> to vector<1x128xf32>
    %dot_general3A_90 = arith.constant dense<0.000000e+00> : vector<128x128xf32>
    %dot_general3A_91 = tpu.matmul %slice3A_89, %broadcast_in_dim3A_43, %dot_general3A_90 {dimension_numbers = #tpu.dot_dimension_numbers<[0], [0], [1], [1], [0, 1, 1, 1], [], []>, transpose_lhs_hint = false} : vector<1x128xf32>, vector<1x128xf32>, vector<128x128xf32> -> vector<128x128xf32>
    %concatenate3A = tpu.concatenate %dot_general3A_46, %dot_general3A_49, %dot_general3A_52, %dot_general3A_55, %dot_general3A_58, %dot_general3A_61, %dot_general3A_64, %dot_general3A_67, %dot_general3A_70, %dot_general3A_73, %dot_general3A_76, %dot_general3A_79, %dot_general3A_82, %dot_general3A_85, %dot_general3A_88, %dot_general3A_91 in 0 : vector<128x128xf32>, vector<128x128xf32>, vector<128x128xf32>, vector<128x128xf32>, vector<128x128xf32>, vector<128x128xf32>, vector<128x128xf32>, vector<128x128xf32>, vector<128x128xf32>, vector<128x128xf32>, vector<128x128xf32>, vector<128x128xf32>, vector<128x128xf32>, vector<128x128xf32>, vector<128x128xf32>, vector<128x128xf32> -> vector<2048x128xf32>
    %mul3A_92 = arith.mulf %concatenate3A, %add3A_32 : vector<2048x128xf32>
    %swap3A = arith.constant 0 : index
    %swap3A_93 = arith.constant 0 : index
    %swap3A_94 = vector.load %arg8[%swap3A, %swap3A_93] : memref<2048x128xf32, #tpu.memory_space<vmem>>, vector<2048x128xf32>
    tpu.vector_store %arg8[%swap3A, %swap3A_93], %mul3A_92 {strides = array<i32>} : memref<2048x128xf32, #tpu.memory_space<vmem>>, vector<2048x128xf32>,
    return
  }
  func.func @transform_0(%arg0: i32) -> (i32, i32) {
    %c0_i32 = arith.constant 0 : i32
    %c0_i32_0 = arith.constant 0 : i32
    return %arg0, %c0_i32 : i32, i32
  }
  func.func @transform_1(%arg0: i32) -> (i32, i32, i32) {
    %c0_i32 = arith.constant 0 : i32
    %c0_i32_0 = arith.constant 0 : i32
    %c0_i32_1 = arith.constant 0 : i32
    return %c0_i32, %arg0, %c0_i32_0 : i32, i32, i32
  }
  func.func @transform_2(%arg0: i32) -> (i32, i32) {
    %c0_i32 = arith.constant 0 : i32
    %c0_i32_0 = arith.constant 0 : i32
    %c0_i32_1 = arith.constant 0 : i32
    return %c0_i32, %c0_i32_0 : i32, i32
  }
  func.func @transform_3(%arg0: i32) -> (i32, i32) {
    %c0_i32 = arith.constant 0 : i32
    %c0_i32_0 = arith.constant 0 : i32
    %c0_i32_1 = arith.constant 0 : i32
    return %c0_i32, %c0_i32_0 : i32, i32
  }
  func.func @transform_4(%arg0: i32) -> (i32, i32) {
    %c0_i32 = arith.constant 0 : i32
    %c0_i32_0 = arith.constant 0 : i32
    %c0_i32_1 = arith.constant 0 : i32
    return %c0_i32, %c0_i32_0 : i32, i32
  }
  func.func @transform_5(%arg0: i32) -> (i32, i32) {
    %c0_i32 = arith.constant 0 : i32
    %c0_i32_0 = arith.constant 0 : i32
    %c0_i32_1 = arith.constant 0 : i32
    return %c0_i32, %c0_i32_0 : i32, i32
  }
  func.func @transform_6(%arg0: i32) -> (i32, i32) {
    %c0_i32 = arith.constant 0 : i32
    %c0_i32_0 = arith.constant 0 : i32
    %c0_i32_1 = arith.constant 0 : i32
    return %c0_i32, %c0_i32_0 : i32, i32
  }
  func.func @transform_7(%arg0: i32) -> (i32, i32) {
    %c0_i32 = arith.constant 0 : i32
    %c0_i32_0 = arith.constant 0 : i32
    return %arg0, %c0_i32 : i32, i32
  }
}

module attributes {stable_mosaic.version = 14 : i64} {
  func.func @_final_body(%arg0: i32, %arg1: memref<2048x128xf32, #tpu.memory_space<vmem>>, %arg2: memref<2x16x128xf32, #tpu.memory_space<vmem>>, %arg3: memref<2x2048x128xf32, #tpu.memory_space<vmem>>, %arg4: memref<128x128xf32, #tpu.memory_space<vmem>>, %arg5: memref<1x128xf32, #tpu.memory_space<vmem>>, %arg6: memref<2048x128xf32, #tpu.memory_space<vmem>>) attributes {dimension_semantics = [#tpu.dimension_semantics<arbitrary>], iteration_bounds = array<i64: 5>, scalar_prefetch = 0 : i64, scratch_operands = 0 : i64, tpu.core_type = #tpu.core_type<tc>, window_params = [{transform_indices = @transform_0, window_bounds = array<i64: 2048, 128>}, {transform_indices = @transform_1, window_bounds = array<i64: 2, 16, 128>}, {transform_indices = @transform_2, window_bounds = array<i64: 2, 2048, 128>}, {pipeline_mode = #tpu.pipeline_mode<synchronous>, transform_indices = @transform_3, window_bounds = array<i64: 128, 128>}, {pipeline_mode = #tpu.pipeline_mode<synchronous>, transform_indices = @transform_4, window_bounds = array<i64: 1, 128>}, {transform_indices = @transform_5, window_bounds = array<i64: 2048, 128>}]} {
    %get3A = arith.constant 0 : index
    %get3A_0 = arith.constant 0 : index
    %get3A_1 = vector.load %arg1[%get3A, %get3A_0] : memref<2048x128xf32, #tpu.memory_space<vmem>>, vector<2048x128xf32>
    %get3A_2 = arith.constant 0 : index
    %get3A_3 = arith.constant 0 : index
    %get3A_4 = vector.load %arg4[%get3A_2, %get3A_3] : memref<128x128xf32, #tpu.memory_space<vmem>>, vector<128x128xf32>
    %dot_general3A = arith.constant dense<0.000000e+00> : vector<2048x128xf32>
    %dot_general3A_5 = tpu.matmul %get3A_1, %get3A_4, %dot_general3A {dimension_numbers = #tpu.dot_dimension_numbers<[1], [0], [0], [1], [0, 0, 1, 1], [], []>, transpose_lhs_hint = false} : vector<2048x128xf32>, vector<128x128xf32>, vector<2048x128xf32> -> vector<2048x128xf32>
    %get3A_6 = arith.constant 0 : index
    %get3A_7 = arith.constant 0 : index
    %get3A_8 = arith.constant 0 : index
    %get3A_9 = vector.load %arg3[%get3A_6, %get3A_7, %get3A_8] : memref<2x2048x128xf32, #tpu.memory_space<vmem>>, vector<1x2048x128xf32>
    %get3A_10 = vector.shape_cast %get3A_9 : vector<1x2048x128xf32> to vector<2048x128xf32>
    %get3A_11 = arith.constant 1 : index
    %get3A_12 = arith.constant 0 : index
    %get3A_13 = arith.constant 0 : index
    %get3A_14 = vector.load %arg3[%get3A_11, %get3A_12, %get3A_13] : memref<2x2048x128xf32, #tpu.memory_space<vmem>>, vector<1x2048x128xf32>
    %get3A_15 = vector.shape_cast %get3A_14 : vector<1x2048x128xf32> to vector<2048x128xf32>
    %add3A = arith.addf %get3A_10, %get3A_15 : vector<2048x128xf32>
    %mul3A = arith.constant 5.000000e-02 : f32
    %mul3A_16 = vector.broadcast %mul3A : f32 to vector<2048x128xf32>
    %mul3A_17 = arith.mulf %mul3A_16, %dot_general3A_5 : vector<2048x128xf32>
    %get3A_18 = arith.constant 0 : index
    %get3A_19 = arith.constant 0 : index
    %get3A_20 = arith.constant 0 : index
    %get3A_21 = vector.load %arg2[%get3A_18, %get3A_19, %get3A_20] : memref<2x16x128xf32, #tpu.memory_space<vmem>>, vector<2x16x128xf32>
    %slice3A = vector.extract_strided_slice %get3A_21 {offsets = [0, 0, 0], sizes = [1, 16, 128], strides = [1, 1, 1]} : vector<2x16x128xf32> to vector<1x16x128xf32>
    %squeeze3A = vector.shape_cast %slice3A : vector<1x16x128xf32> to vector<16x128xf32>
    %slice3A_22 = vector.extract_strided_slice %get3A_21 {offsets = [1, 0, 0], sizes = [1, 16, 128], strides = [1, 1, 1]} : vector<2x16x128xf32> to vector<1x16x128xf32>
    %squeeze3A_23 = vector.shape_cast %slice3A_22 : vector<1x16x128xf32> to vector<16x128xf32>
    %add3A_24 = arith.addf %squeeze3A, %squeeze3A_23 : vector<16x128xf32>
    %gt3A = arith.constant 0.000000e+00 : f32
    %gt3A_25 = vector.broadcast %gt3A : f32 to vector<16x128xf32>
    %gt3A_26 = arith.cmpf ogt, %add3A_24, %gt3A_25 : vector<16x128xf32>
    %rsqrt3A = math.rsqrt %add3A_24 : vector<16x128xf32>
    %jit3A = arith.constant 0.000000e+00 : f32
    %broadcast_in_dim3A = vector.broadcast %jit3A : f32 to vector<16x128xf32>
    %select_n3A = arith.select %gt3A_26, %rsqrt3A, %broadcast_in_dim3A : vector<16x128xi1>, vector<16x128xf32>
    %broadcast_in_dim3A_27 = arith.constant 1.000000e+00 : f32
    %broadcast_in_dim3A_28 = vector.broadcast %broadcast_in_dim3A_27 : f32 to vector<1x128xf32>
    %slice3A_29 = vector.extract_strided_slice %select_n3A {offsets = [0, 0], sizes = [1, 128], strides = [1, 1]} : vector<16x128xf32> to vector<1x128xf32>
    %dot_general3A_30 = arith.constant dense<0.000000e+00> : vector<128x128xf32>
    %dot_general3A_31 = tpu.matmul %slice3A_29, %broadcast_in_dim3A_28, %dot_general3A_30 {dimension_numbers = #tpu.dot_dimension_numbers<[0], [0], [1], [1], [0, 1, 1, 1], [], []>, transpose_lhs_hint = false} : vector<1x128xf32>, vector<1x128xf32>, vector<128x128xf32> -> vector<128x128xf32>
    %slice3A_32 = vector.extract_strided_slice %select_n3A {offsets = [1, 0], sizes = [1, 128], strides = [1, 1]} : vector<16x128xf32> to vector<1x128xf32>
    %dot_general3A_33 = arith.constant dense<0.000000e+00> : vector<128x128xf32>
    %dot_general3A_34 = tpu.matmul %slice3A_32, %broadcast_in_dim3A_28, %dot_general3A_33 {dimension_numbers = #tpu.dot_dimension_numbers<[0], [0], [1], [1], [0, 1, 1, 1], [], []>, transpose_lhs_hint = false} : vector<1x128xf32>, vector<1x128xf32>, vector<128x128xf32> -> vector<128x128xf32>
    %slice3A_35 = vector.extract_strided_slice %select_n3A {offsets = [2, 0], sizes = [1, 128], strides = [1, 1]} : vector<16x128xf32> to vector<1x128xf32>
    %dot_general3A_36 = arith.constant dense<0.000000e+00> : vector<128x128xf32>
    %dot_general3A_37 = tpu.matmul %slice3A_35, %broadcast_in_dim3A_28, %dot_general3A_36 {dimension_numbers = #tpu.dot_dimension_numbers<[0], [0], [1], [1], [0, 1, 1, 1], [], []>, transpose_lhs_hint = false} : vector<1x128xf32>, vector<1x128xf32>, vector<128x128xf32> -> vector<128x128xf32>
    %slice3A_38 = vector.extract_strided_slice %select_n3A {offsets = [3, 0], sizes = [1, 128], strides = [1, 1]} : vector<16x128xf32> to vector<1x128xf32>
    %dot_general3A_39 = arith.constant dense<0.000000e+00> : vector<128x128xf32>
    %dot_general3A_40 = tpu.matmul %slice3A_38, %broadcast_in_dim3A_28, %dot_general3A_39 {dimension_numbers = #tpu.dot_dimension_numbers<[0], [0], [1], [1], [0, 1, 1, 1], [], []>, transpose_lhs_hint = false} : vector<1x128xf32>, vector<1x128xf32>, vector<128x128xf32> -> vector<128x128xf32>
    %slice3A_41 = vector.extract_strided_slice %select_n3A {offsets = [4, 0], sizes = [1, 128], strides = [1, 1]} : vector<16x128xf32> to vector<1x128xf32>
    %dot_general3A_42 = arith.constant dense<0.000000e+00> : vector<128x128xf32>
    %dot_general3A_43 = tpu.matmul %slice3A_41, %broadcast_in_dim3A_28, %dot_general3A_42 {dimension_numbers = #tpu.dot_dimension_numbers<[0], [0], [1], [1], [0, 1, 1, 1], [], []>, transpose_lhs_hint = false} : vector<1x128xf32>, vector<1x128xf32>, vector<128x128xf32> -> vector<128x128xf32>
    %slice3A_44 = vector.extract_strided_slice %select_n3A {offsets = [5, 0], sizes = [1, 128], strides = [1, 1]} : vector<16x128xf32> to vector<1x128xf32>
    %dot_general3A_45 = arith.constant dense<0.000000e+00> : vector<128x128xf32>
    %dot_general3A_46 = tpu.matmul %slice3A_44, %broadcast_in_dim3A_28, %dot_general3A_45 {dimension_numbers = #tpu.dot_dimension_numbers<[0], [0], [1], [1], [0, 1, 1, 1], [], []>, transpose_lhs_hint = false} : vector<1x128xf32>, vector<1x128xf32>, vector<128x128xf32> -> vector<128x128xf32>
    %slice3A_47 = vector.extract_strided_slice %select_n3A {offsets = [6, 0], sizes = [1, 128], strides = [1, 1]} : vector<16x128xf32> to vector<1x128xf32>
    %dot_general3A_48 = arith.constant dense<0.000000e+00> : vector<128x128xf32>
    %dot_general3A_49 = tpu.matmul %slice3A_47, %broadcast_in_dim3A_28, %dot_general3A_48 {dimension_numbers = #tpu.dot_dimension_numbers<[0], [0], [1], [1], [0, 1, 1, 1], [], []>, transpose_lhs_hint = false} : vector<1x128xf32>, vector<1x128xf32>, vector<128x128xf32> -> vector<128x128xf32>
    %slice3A_50 = vector.extract_strided_slice %select_n3A {offsets = [7, 0], sizes = [1, 128], strides = [1, 1]} : vector<16x128xf32> to vector<1x128xf32>
    %dot_general3A_51 = arith.constant dense<0.000000e+00> : vector<128x128xf32>
    %dot_general3A_52 = tpu.matmul %slice3A_50, %broadcast_in_dim3A_28, %dot_general3A_51 {dimension_numbers = #tpu.dot_dimension_numbers<[0], [0], [1], [1], [0, 1, 1, 1], [], []>, transpose_lhs_hint = false} : vector<1x128xf32>, vector<1x128xf32>, vector<128x128xf32> -> vector<128x128xf32>
    %slice3A_53 = vector.extract_strided_slice %select_n3A {offsets = [8, 0], sizes = [1, 128], strides = [1, 1]} : vector<16x128xf32> to vector<1x128xf32>
    %dot_general3A_54 = arith.constant dense<0.000000e+00> : vector<128x128xf32>
    %dot_general3A_55 = tpu.matmul %slice3A_53, %broadcast_in_dim3A_28, %dot_general3A_54 {dimension_numbers = #tpu.dot_dimension_numbers<[0], [0], [1], [1], [0, 1, 1, 1], [], []>, transpose_lhs_hint = false} : vector<1x128xf32>, vector<1x128xf32>, vector<128x128xf32> -> vector<128x128xf32>
    %slice3A_56 = vector.extract_strided_slice %select_n3A {offsets = [9, 0], sizes = [1, 128], strides = [1, 1]} : vector<16x128xf32> to vector<1x128xf32>
    %dot_general3A_57 = arith.constant dense<0.000000e+00> : vector<128x128xf32>
    %dot_general3A_58 = tpu.matmul %slice3A_56, %broadcast_in_dim3A_28, %dot_general3A_57 {dimension_numbers = #tpu.dot_dimension_numbers<[0], [0], [1], [1], [0, 1, 1, 1], [], []>, transpose_lhs_hint = false} : vector<1x128xf32>, vector<1x128xf32>, vector<128x128xf32> -> vector<128x128xf32>
    %slice3A_59 = vector.extract_strided_slice %select_n3A {offsets = [10, 0], sizes = [1, 128], strides = [1, 1]} : vector<16x128xf32> to vector<1x128xf32>
    %dot_general3A_60 = arith.constant dense<0.000000e+00> : vector<128x128xf32>
    %dot_general3A_61 = tpu.matmul %slice3A_59, %broadcast_in_dim3A_28, %dot_general3A_60 {dimension_numbers = #tpu.dot_dimension_numbers<[0], [0], [1], [1], [0, 1, 1, 1], [], []>, transpose_lhs_hint = false} : vector<1x128xf32>, vector<1x128xf32>, vector<128x128xf32> -> vector<128x128xf32>
    %slice3A_62 = vector.extract_strided_slice %select_n3A {offsets = [11, 0], sizes = [1, 128], strides = [1, 1]} : vector<16x128xf32> to vector<1x128xf32>
    %dot_general3A_63 = arith.constant dense<0.000000e+00> : vector<128x128xf32>
    %dot_general3A_64 = tpu.matmul %slice3A_62, %broadcast_in_dim3A_28, %dot_general3A_63 {dimension_numbers = #tpu.dot_dimension_numbers<[0], [0], [1], [1], [0, 1, 1, 1], [], []>, transpose_lhs_hint = false} : vector<1x128xf32>, vector<1x128xf32>, vector<128x128xf32> -> vector<128x128xf32>
    %slice3A_65 = vector.extract_strided_slice %select_n3A {offsets = [12, 0], sizes = [1, 128], strides = [1, 1]} : vector<16x128xf32> to vector<1x128xf32>
    %dot_general3A_66 = arith.constant dense<0.000000e+00> : vector<128x128xf32>
    %dot_general3A_67 = tpu.matmul %slice3A_65, %broadcast_in_dim3A_28, %dot_general3A_66 {dimension_numbers = #tpu.dot_dimension_numbers<[0], [0], [1], [1], [0, 1, 1, 1], [], []>, transpose_lhs_hint = false} : vector<1x128xf32>, vector<1x128xf32>, vector<128x128xf32> -> vector<128x128xf32>
    %slice3A_68 = vector.extract_strided_slice %select_n3A {offsets = [13, 0], sizes = [1, 128], strides = [1, 1]} : vector<16x128xf32> to vector<1x128xf32>
    %dot_general3A_69 = arith.constant dense<0.000000e+00> : vector<128x128xf32>
    %dot_general3A_70 = tpu.matmul %slice3A_68, %broadcast_in_dim3A_28, %dot_general3A_69 {dimension_numbers = #tpu.dot_dimension_numbers<[0], [0], [1], [1], [0, 1, 1, 1], [], []>, transpose_lhs_hint = false} : vector<1x128xf32>, vector<1x128xf32>, vector<128x128xf32> -> vector<128x128xf32>
    %slice3A_71 = vector.extract_strided_slice %select_n3A {offsets = [14, 0], sizes = [1, 128], strides = [1, 1]} : vector<16x128xf32> to vector<1x128xf32>
    %dot_general3A_72 = arith.constant dense<0.000000e+00> : vector<128x128xf32>
    %dot_general3A_73 = tpu.matmul %slice3A_71, %broadcast_in_dim3A_28, %dot_general3A_72 {dimension_numbers = #tpu.dot_dimension_numbers<[0], [0], [1], [1], [0, 1, 1, 1], [], []>, transpose_lhs_hint = false} : vector<1x128xf32>, vector<1x128xf32>, vector<128x128xf32> -> vector<128x128xf32>
    %slice3A_74 = vector.extract_strided_slice %select_n3A {offsets = [15, 0], sizes = [1, 128], strides = [1, 1]} : vector<16x128xf32> to vector<1x128xf32>
    %dot_general3A_75 = arith.constant dense<0.000000e+00> : vector<128x128xf32>
    %dot_general3A_76 = tpu.matmul %slice3A_74, %broadcast_in_dim3A_28, %dot_general3A_75 {dimension_numbers = #tpu.dot_dimension_numbers<[0], [0], [1], [1], [0, 1, 1, 1], [], []>, transpose_lhs_hint = false} : vector<1x128xf32>, vector<1x128xf32>, vector<128x128xf32> -> vector<128x128xf32>
    %concatenate3A = tpu.concatenate %dot_general3A_31, %dot_general3A_34, %dot_general3A_37, %dot_general3A_40, %dot_general3A_43, %dot_general3A_46, %dot_general3A_49, %dot_general3A_52, %dot_general3A_55, %dot_general3A_58, %dot_general3A_61, %dot_general3A_64, %dot_general3A_67, %dot_general3A_70, %dot_general3A_73, %dot_general3A_76 in 0 : vector<128x128xf32>, vector<128x128xf32>, vector<128x128xf32>, vector<128x128xf32>, vector<128x128xf32>, vector<128x128xf32>, vector<128x128xf32>, vector<128x128xf32>, vector<128x128xf32>, vector<128x128xf32>, vector<128x128xf32>, vector<128x128xf32>, vector<128x128xf32>, vector<128x128xf32>, vector<128x128xf32>, vector<128x128xf32> -> vector<2048x128xf32>
    %mul3A_77 = arith.mulf %concatenate3A, %add3A : vector<2048x128xf32>
    %mul3A_78 = arith.constant 0.949999988 : f32
    %mul3A_79 = vector.broadcast %mul3A_78 : f32 to vector<2048x128xf32>
    %mul3A_80 = arith.mulf %mul3A_79, %mul3A_77 : vector<2048x128xf32>
    %add3A_81 = arith.addf %mul3A_17, %mul3A_80 : vector<2048x128xf32>
    %get3A_82 = arith.constant 0 : index
    %get3A_83 = arith.constant 0 : index
    %get3A_84 = vector.load %arg5[%get3A_82, %get3A_83] : memref<1x128xf32, #tpu.memory_space<vmem>>, vector<1x128xf32>
    %add3A_85 = vector.broadcast %get3A_84 : vector<1x128xf32> to vector<2048x128xf32>
    %add3A_86 = arith.addf %add3A_81, %add3A_85 : vector<2048x128xf32>
    %reduce_max3A = arith.constant dense<0xFF800000> : vector<2048xf32>
    %reduce_max3A_87 = vector.multi_reduction <maximumf>, %add3A_86, %reduce_max3A [1] : vector<2048x128xf32> to vector<2048xf32>
    %broadcast_in_dim3A_88 = vector.shape_cast %reduce_max3A_87 : vector<2048xf32> to vector<2048x1xf32>
    %sub3A = vector.broadcast %broadcast_in_dim3A_88 : vector<2048x1xf32> to vector<2048x128xf32>
    %sub3A_89 = arith.subf %add3A_86, %sub3A : vector<2048x128xf32>
    %exp3A = math.exp %sub3A_89 : vector<2048x128xf32>
    %reduce_sum3A = arith.constant dense<0.000000e+00> : vector<2048xf32>
    %reduce_sum3A_90 = vector.multi_reduction <add>, %exp3A, %reduce_sum3A [1] : vector<2048x128xf32> to vector<2048xf32>
    %broadcast_in_dim3A_91 = vector.shape_cast %reduce_sum3A_90 : vector<2048xf32> to vector<2048x1xf32>
    %log3A = math.log %broadcast_in_dim3A_91 : vector<2048x1xf32>
    %add3A_92 = arith.addf %log3A, %broadcast_in_dim3A_88 : vector<2048x1xf32>
    %sub3A_93 = vector.broadcast %add3A_92 : vector<2048x1xf32> to vector<2048x128xf32>
    %sub3A_94 = arith.subf %add3A_86, %sub3A_93 : vector<2048x128xf32>
    %swap3A = arith.constant 0 : index
    %swap3A_95 = arith.constant 0 : index
    %swap3A_96 = vector.load %arg6[%swap3A, %swap3A_95] : memref<2048x128xf32, #tpu.memory_space<vmem>>, vector<2048x128xf32>
    tpu.vector_store %arg6[%swap3A, %swap3A_95], %sub3A_94 {strides = array<i32>} : memref<2048x128xf32, #tpu.memory_space<vmem>>, vector<2048x128xf32>,
    return
  }
  func.func @transform_0(%arg0: i32) -> (i32, i32) {
    %c0_i32 = arith.constant 0 : i32
    %c0_i32_0 = arith.constant 0 : i32
    return %arg0, %c0_i32 : i32, i32
  }
  func.func @transform_1(%arg0: i32) -> (i32, i32, i32) {
    %c0_i32 = arith.constant 0 : i32
    %c0_i32_0 = arith.constant 0 : i32
    %c0_i32_1 = arith.constant 0 : i32
    return %c0_i32, %arg0, %c0_i32_0 : i32, i32, i32
  }
  func.func @transform_2(%arg0: i32) -> (i32, i32, i32) {
    %c0_i32 = arith.constant 0 : i32
    %c0_i32_0 = arith.constant 0 : i32
    %c0_i32_1 = arith.constant 0 : i32
    return %c0_i32, %arg0, %c0_i32_0 : i32, i32, i32
  }
  func.func @transform_3(%arg0: i32) -> (i32, i32) {
    %c0_i32 = arith.constant 0 : i32
    %c0_i32_0 = arith.constant 0 : i32
    %c0_i32_1 = arith.constant 0 : i32
    return %c0_i32, %c0_i32_0 : i32, i32
  }
  func.func @transform_4(%arg0: i32) -> (i32, i32) {
    %c0_i32 = arith.constant 0 : i32
    %c0_i32_0 = arith.constant 0 : i32
    %c0_i32_1 = arith.constant 0 : i32
    return %c0_i32, %c0_i32_0 : i32, i32
  }
  func.func @transform_5(%arg0: i32) -> (i32, i32) {
    %c0_i32 = arith.constant 0 : i32
    %c0_i32_0 = arith.constant 0 : i32
    return %arg0, %c0_i32 : i32, i32
  }
}

</mosaic_0001>

<sc_bundles>
// kernel: kernel.6.cloned.1.call-start
scs
__scs_entry_jumppad:
0x0: {  	(pc) =	sbr.rel $0x88, $3  }
0x1: {  	(tag) =	ssettag $0x0;
	lr =	simm.s32 $0x1  }
0x2: {  	[smem:$0x3F99] =	sst lr;
	_ =	strace $0xD0000000  }
0x3: {  	_ = 	snop  }
0x4: {  	_ = 	snop  }
0x5: {  	_ = 	snop  }
0x6: {  	_ = 	snop  }
0x7: {  	_ = 	snop  }
__scs_overlays_trampoline_lowered:
0x8: {  	[smem:$0x3FA8] =	sst s0  }
0x9: {  	[smem:$0x3FA9] =	sst s1  }
0xa: {  	[smem:$0x3FAA] =	sst s2  }
0xb: {  	[smem:$0x3FAB] =	sst s3  }
0xc: {  	[smem:$0x3FAC] =	sst s4  }
0xd: {  	[smem:$0x3FAD] =	sst s5  }
0xe: {  	[smem:$0x3FAE] =	sst s6  }
0xf: {  	[smem:$0x3FAF] =	sst s7  }
0x10: {  	[smem:$0x3FB0] =	sst s8  }
0x11: {  	[smem:$0x3FB1] =	sst s9;
	s0 =	simm.s32 @!p0 $0x0  }
0x12: {  	s1 =	sld [smem:$0x3F97];
	s0 =	simm.s32 @p0 $0x1  }
0x13: {  	[smem:$0x3FB2] =	sst s0;
	s0 =	simm.s32 @!p1 $0x0  }
0x14: {  	s2 =	sld [smem:$0x3F96];
	s0 =	simm.s32 @p1 $0x1  }
0x15: {  	[smem:$0x3FB3] =	sst s0;
	s0 =	simm.s32 @!p2 $0x0  }
0x16: {  	s3 =	sld [smem:$0x3FDB];
	s0 =	simm.s32 @p2 $0x1  }
0x17: {  	s4 =	simm.s32 $0x1BF5;
	[smem:$0x3FB5] =	sst s0  }
0x18: {  	s0 =	sld [smem:$0x3F98];
	_ =	swait.ge [sflag:s4], $0x0  }
0x19: {  	s7 =	sld [smem:$0x3F99]  }
0x1a: {  	s8 =	sadd.s32 $0xFFFFE003, lr  }
0x1b: {  	s9 =	sadd.s32 $0xFFFFFEF7, lr;
	s5 =	simm.s32 $0xFFFFFFFF;
	p2 =	slt.u32 s8, $0xFFFFF086  }
0x1c: {  	p1 =	slt.u32 s9, $0xF7A;
	s5 =	simm.s32 @!p2 $0x0  }
0x1d: {  	s5 =	simm.s32 @p1 $0x1;
	p0 =	seq.s32 s7, s2  }
0x1e: {  	s7 =	smul.u32 @!p0 $0xF7A, s2;
	p2 =	seq.s32 @!p0 s5, $0x0  }
0x1f: {  	s9 =	smul.u32 $0xF7A, s1;
	s8 =	simm.s32 @!p0 $0x1BF5;
	p2 =	por !p2, p0  }
0x20: {  	[sflag:s8] =	ssyncset.s32 @!p0 $0xFFFFF086;
	s6 =	sadd.s32 @!p0 s3, s7;
	s7 =	simm.s32 @!p0 $0x108  }
0x21: {  	s3 =	sadd.s32 s3, s9;
	s6 =	sadd.s32 @!p0 $0x88, s6;
	s7 =	simm.s32 @p2 $0x1082  }
0x22: {  	[simem:s7], [sflag:s8] =	dma.local @!p0 [hbm:s6], $0xF7A  }
0x23: {  	s9 =	sor.u32 $0xD0000000, s2;
	s6 =	simm.s32 $0x108;
	_ =	swait.ge @!p0 [sflag:s8], $0x0  }
0x24: {  	s3 =	sadd.s32 $0x88, s3;
	s6 =	simm.s32 @!p1 $0x1082;
	[sflag:s4] =	ssyncset.s32 $0xFFFFF086  }
0x25: {  	[simem:s6], [sflag:s4] =	dma.local [hbm:s3], $0xF7A  }
0x26: {  	[smem:$0x3F99] =	sst s1;
	(tag) =	ssettag s2;
	_ =	strace s9  }
0x27: {  	s1 =	sld [smem:$0x3FA9]  }
0x28: {  	s2 =	sld [smem:$0x3FAA]  }
0x29: {  	s4 =	sld [smem:$0x3FAC]  }
0x2a: {  	p0 =	seq.s32 s5, $0x0;
	s5 =	sld [smem:$0x3FAD]  }
0x2b: {  	s6 =	sld [smem:$0x3FAE]  }
0x2c: {  	s7 =	sld [smem:$0x3FAF]  }
0x2d: {  	s3 =	simm.s32 $0x108;
	s8 =	sld [smem:$0x3FB0]  }
0x2e: {  	s3 =	simm.s32 @!p0 $0x1082;
	s9 =	sld [smem:$0x3FB1]  }
0x2f: {  	lr =	sadd.s32 s0, s3;
	s0 =	sld [smem:$0x3FA8]  }
0x30: {  	s3 =	sld [smem:$0x3FAB]  }
0x31: {  	[smem:$0x3FB4] =	sst s10  }
0x32: {  	s10 =	sld [smem:$0x3FB2];
	_ =	sdelay $0x3  }
0x33: {  	p0 =	seq.s32 s10, $0x1;
	s10 =	sld [smem:$0x3FB4];
	_ =	sdelay $0x3  }
0x34: {  	[smem:$0x3FB4] =	sst s10  }
0x35: {  	s10 =	sld [smem:$0x3FB3];
	_ =	sdelay $0x3  }
0x36: {  	p1 =	seq.s32 s10, $0x1;
	s10 =	sld [smem:$0x3FB4];
	_ =	sdelay $0x3  }
0x37: {  	[smem:$0x3FB4] =	sst s10  }
0x38: {  	s10 =	sld [smem:$0x3FB5]  }
0x39: {  	_ = 	snop;
	(pc) =	sbr.ind lr, $3  }
0x3a: {  	_ = 	snop  }
0x3b: {  	_ = 	snop  }
0x3c: {  	p2 =	seq.s32 s10, $0x1;
	s10 =	sld [smem:$0x3FB4]  }
0x3d: {  	_ =	shalt  }
0x3e: {  	_ =	shalt  }
0x3f: {  	_ =	shalt  }
0x40: {  	_ =	shalt  }
0x41: {  	_ =	shalt  }
0x42: {  	_ =	shalt  }
0x43: {  	_ =	shalt  }
0x44: {  	_ =	shalt  }
0x45: {  	_ =	shalt  }
0x46: {  	_ =	shalt  }
0x47: {  	_ =	shalt  }
0x48: {  	_ =	shalt  }
0x49: {  	_ =	shalt  }
0x4a: {  	_ =	shalt  }
0x4b: {  	_ =	shalt  }
0x4c: {  	_ =	shalt  }
0x4d: {  	_ =	shalt  }
0x4e: {  	_ =	shalt  }
0x4f: {  	_ =	shalt  }
0x50: {  	_ =	shalt  }
0x51: {  	_ =	shalt  }
0x52: {  	_ =	shalt  }
0x53: {  	_ =	shalt  }
0x54: {  	_ =	shalt  }
0x55: {  	_ =	shalt  }
0x56: {  	_ =	shalt  }
0x57: {  	_ =	shalt  }
0x58: {  	_ =	shalt  }
0x59: {  	_ =	shalt  }
0x5a: {  	_ =	shalt  }
0x5b: {  	_ =	shalt  }
0x5c: {  	_ =	shalt  }
0x5d: {  	_ =	shalt  }
0x5e: {  	_ =	shalt  }
0x5f: {  	_ =	shalt  }
0x60: {  	_ =	shalt  }
0x61: {  	_ =	shalt  }
0x62: {  	_ =	shalt  }
0x63: {  	_ =	shalt  }
0x64: {  	_ =	shalt  }
0x65: {  	_ =	shalt  }
0x66: {  	_ =	shalt  }
0x67: {  	_ =	shalt  }
0x68: {  	_ =	shalt  }
0x69: {  	_ =	shalt  }
0x6a: {  	_ =	shalt  }
0x6b: {  	_ =	shalt  }
0x6c: {  	_ =	shalt  }
0x6d: {  	_ =	shalt  }
0x6e: {  	_ =	shalt  }
0x6f: {  	_ =	shalt  }
0x70: {  	_ =	shalt  }
0x71: {  	_ =	shalt  }
0x72: {  	_ =	shalt  }
0x73: {  	_ =	shalt  }
0x74: {  	_ =	shalt  }
0x75: {  	_ =	shalt  }
0x76: {  	_ =	shalt  }
0x77: {  	_ =	shalt  }
0x78: {  	_ =	shalt  }
0x79: {  	_ =	shalt  }
0x7a: {  	_ =	shalt  }
0x7b: {  	_ =	shalt  }
0x7c: {  	_ =	shalt  }
0x7d: {  	_ =	shalt  }
0x7e: {  	_ =	shalt  }
0x7f: {  	_ =	shalt  }
0x80: {  	_ =	shalt  }
0x81: {  	_ =	shalt  }
0x82: {  	_ =	shalt  }
0x83: {  	_ =	shalt  }
0x84: {  	_ =	shalt  }
0x85: {  	_ =	shalt  }
0x86: {  	_ =	shalt  }
0x87: {  	_ =	shalt  }
.Lfunc_end0:
.L_simem_size_0:
called_computation_lowered:
.L_overlay_start_0:
0x88: {  	s2 =	sld [smem:$0x3FD9]  }
0x89: {  	s3 =	sld [smem:$0x3FFE];
	_ =	sdelay $0x1  }
0x8a: {  	s1 =	srdreg.scid  }
0x8b: {  	s0 =	sand.u32 $0x1, s1  }
0x8c: {  	s17 =	sshll.u32 s0, $0xA;
	s2 =	sadd.s32 s3, s2  }
0x8d: {  	s2 =	sadd.s32 s2, s17  }
0x8e: {  	[smem:$0x3FC0] =	sst s2  }
0x8f: {  	_ = 	snop  }
0x90: {  	s2 =	sld [smem:$0x3FD0];
	(tm) =	ssettm $0x1  }
0x91: {  	s18 =	sld [smem:$0x3FFB];
	_ =	sdelay $0x3  }
0x92: {  	_ =	strace s18  }
0x93: {  	s3 =	sld [smem:$0x3FFC];
	_ =	sdelay $0x3  }
0x94: {  	_ =	strace s3  }
0x95: {  	s3 =	sld [smem:$0x3FFD];
	_ =	sdelay $0x3  }
0x96: {  	_ =	strace s3  }
0x97: {  	_ =	strace $0x8FFFFFFF  }
0x98: {  	s19 =	sld [smem:$0x3FDB];
	_ =	sdelay $0x1  }
0x99: {  	s4 =	simm.s32 $_scs_section_size  }
0x9a: {  	s5 =	simm.s32 $_size__tile_overlayer_lowered;
	s6 =	simm.s32 $_tile_overlayer_lowered  }
0x9b: {  	s22 =	simm.s32 $0x1BFF;
	s21 =	sshll.u32 s6, $0x1;
	s3 =	sadd.s32 s4, s19  }
0x9c: {  	s7 =	simm.s32 $0x0;
	s20 =	sshll.u32 s5, $0x1;
	s5 =	sadd.s32 s21, s3  }
0x9d: {  	[timem:s7], [sflag:s22] =	dma.local [hbm:s5], s20  }
0x9e: {  	_ =	swait.ge [sflag:s22], s20  }
0x9f: {  	s4 =	ssub.s32 $0x0, s20;
	[sflag:s22] =	ssyncset.done $0x0  }
0xa0: {  	[sflag:s22] =	ssyncadd.s32 s4;
	_ =	sdelay $0x1  }
0xa1: {  	s23 =	simm.s32 $0x1B8B  }
0xa2: {  	_ =	swait.ge [sflag:s23], $0x1  }
0xa3: {  	[sflag:s23] =	ssyncset.done $0x0  }
0xa4: {  	s25 =	simm.s32 $0x1B8E;
	s24 =	sld [smem:$0x3FFE];
	[sflag:s23] =	ssyncadd.s32 $0xFFFFFFFF  }
0xa5: {  	s26 =	simm.s32 $execute0_lowered;
	[smem:$0x3FD2] =	sst s25  }
0xa6: {  	s5 =	sshll.u32 s26, $0x1;
	_ =	strace $0x80000046;
	[dreg:$0x1] =	wrdreg $0xFFFFFFFF  }
0xa7: {  	s28 =	simm.s32 $_size_execute0_lowered;
	s3 =	sadd.s32 s3, s5;
	[dreg:$0x0] =	wrdreg $0x0  }
0xa8: {  	s5 =	sshll.u32 s28, $0x1;
	[dreg:$0x2] =	wrdreg s3  }
0xa9: {  	[dreg:$0x3] =	wrdreg s5  }
0xaa: {  	[dreg:$0x4] =	wrdreg $0xC0  }
0xab: {  	_ =	task [dreg:s7], $0x5FFFF  }
0xac: {  	[dreg:$0x1] =	wrdreg $0xFFFFFFFF  }
0xad: {  	[dreg:$0x0] =	wrdreg $0x60  }
0xae: {  	[dreg:$0x2] =	wrdreg s2  }
0xaf: {  	[dreg:$0x3] =	wrdreg s24  }
0xb0: {  	[dreg:$0x4] =	wrdreg $0x0  }
0xb1: {  	[dreg:$0x5] =	wrdreg $0x9  }
0xb2: {  	_ =	task.clear_ibuf [dreg:s7], $0x6FFFF;
	_ =	strace $0x90000046  }
0xb3: {  	s29 =	simm.s32 $0x9;
	_ =	strace $0x80000048  }
0xb4: {  	_ =	swait.ge [sflag:s29], $0x1  }
0xb5: {  	[sflag:s29] =	ssyncadd.s32 $0xFFFFFFFF  }
0xb6: {  	_ =	strace $0x90000048  }
0xb7: {  	_ =	sfence  }
0xb8: {  	s30 =	sld [smem:$0x0];
	_ =	sdelay $0x2  }
0xb9: {  	s31 =	sshll.u32 s1, $0xD;
	s1 =	sshrl.u32 s1, $0x2  }
0xba: {  	s3 =	sand.u32 $0x4000, s31;
	s1 =	sadd.s32 s1, s30  }
0xbb: {  	s0 =	sor.u32 s3, s0;
	s1 =	sshll.u32 s1, $0x11  }
0xbc: {  	s0 =	sor.u32 s1, s0  }
0xbd: {  	s0 =	sadd.s32 $0x8F2B, s0  }
0xbe: {  	[sflag:s0] =	ssyncadd.remote.s32 $0x1  }
0xbf: {  	_ =	sfence.sel $0xFFFF  }
0xc0: {  	[dreg:$0x0] =	wrdreg $0xFFFFFFFF;
	(pc) =	sbr.abs _section_cstart, $3  }
0xc1: {  	[dreg:$0x1] =	wrdreg $0xFFFFFFFF  }
0xc2: {  	_ =	task.clear_ibuf [dreg:s7], $0x2FFFF;
	_ =	strace $0x9FFFFFFF  }
0xc3: {  	(tm) =	ssettm $0x7FFFFFFF  }
tec
execute0_lowered:
.L_overlay_start_1:
0x0: {  	(tag) =	ssettag $0x1  }
0x1: {  	s5 =	rddreg [dreg:$0x0]  }
0x2: {  	s4 =	rddreg [dreg:$0x1]  }
0x3: {  	s2 =	rddreg [dreg:$0x2]  }
0x4: {  	s0 =	rddreg [dreg:$0x3];
	s6 =	srdreg.scid  }
0x5: {  	s1 =	stileid.u32;
	s3 =	simm.s32 $0x0;
	s11 =	simm.s32 $0x80  }
0x6: {  	s12 =	simm.s32 $0x2E80;
	s13 =	simm.s32 $0x1;
	s14 =	simm.s32 $0x100  }
0x7: {  	s15 =	simm.s32 $0x0;
	s6 =	sand.u32 $0x1, s6;
	s7 =	smul.u32 $0x500, s1  }
0x8: {  	[smem:$0x7FF] =	sst s3;
	s9 =	smul.u32 $0xA00, s1;
	s8 =	sshll.u32 s6, $0x7  }
0x9: {  	_ =	strace $0x80000047;
	s30 =	sshll.u32 s6, $0x4;
	s6 =	ssub.s32 $0x2, s6  }
0xa: {  	s7 =	sor.u32 s8, s7;
	s8 =	sor.u32 s1, s30;
	s10 =	sshrl.u32 s6, $0x1  }
0xb: {  	s31 =	sshrl.u32 s9, $0x2;
	s7 =	sshrl.u32 s7, $0x3;
	s8 =	smul.u32 $0x580, s8  }
0xc: {  	s9 =	simm.s32 $0x2;
	s10 =	ssub.s32 s6, s10;
	s7 =	sadd.s32 s7, s4  }
0xd: {  	s4 =	sadd.s32 s31, s2;
	s5 =	sadd.s32 s5, s8;
	s6 =	sadd.s32 $0x1800, s7  }
0xe: {  	v0 =	vimm.f32 $0.0e+00;
	v1 =	vimm.f32 $1.000000000e+00;
	s7 =	smax.u32 s10, $0x1;
	s8 =	simm.s32 $0x2F00;
	s10 =	simm.s32 $0x280  }
.LBB2_1:
0xf: {  	[tilespmem:$0x2F00] =	vst v0  }
0x10: {  	[tilespmem:$0x2F10] =	vst v0  }
0x11: {  	[tilespmem:$0x2F20] =	vst v0  }
0x12: {  	[tilespmem:$0x2F30] =	vst v0  }
0x13: {  	[tilespmem:$0x2F40] =	vst v0  }
0x14: {  	[tilespmem:$0x2F50] =	vst v0  }
0x15: {  	[tilespmem:$0x2F60] =	vst v0  }
0x16: {  	[tilespmem:$0x2F70] =	vst v0  }
0x17: {  	[tilespmem:$0x2F80] =	vst v0  }
0x18: {  	[tilespmem:$0x2F90] =	vst v0  }
0x19: {  	[tilespmem:$0x2FA0] =	vst v0  }
0x1a: {  	[tilespmem:$0x2FB0] =	vst v0  }
0x1b: {  	[tilespmem:$0x2FC0] =	vst v0  }
0x1c: {  	[tilespmem:$0x2FD0] =	vst v0  }
0x1d: {  	[tilespmem:$0x2FE0] =	vst v0  }
0x1e: {  	[tilespmem:$0x2FF0] =	vst v0  }
0x1f: {  	[tilespmem:$0x3000] =	vst v0  }
0x20: {  	[tilespmem:$0x3010] =	vst v0  }
0x21: {  	[tilespmem:$0x3020] =	vst v0  }
0x22: {  	[tilespmem:$0x3030] =	vst v0  }
0x23: {  	[tilespmem:$0x3040] =	vst v0  }
0x24: {  	[tilespmem:$0x3050] =	vst v0  }
0x25: {  	[tilespmem:$0x3060] =	vst v0  }
0x26: {  	[tilespmem:$0x3070] =	vst v0  }
0x27: {  	[tilespmem:$0x3080] =	vst v0  }
0x28: {  	[tilespmem:$0x3090] =	vst v0  }
0x29: {  	[tilespmem:$0x30A0] =	vst v0  }
0x2a: {  	[tilespmem:$0x30B0] =	vst v0  }
0x2b: {  	[tilespmem:$0x30C0] =	vst v0  }
0x2c: {  	[tilespmem:$0x30D0] =	vst v0  }
0x2d: {  	[tilespmem:$0x30E0] =	vst v0  }
0x2e: {  	[tilespmem:$0x30F0] =	vst v0  }
0x2f: {  	[tilespmem:$0x3100] =	vst v0  }
0x30: {  	[tilespmem:$0x3110] =	vst v0  }
0x31: {  	[tilespmem:$0x3120] =	vst v0  }
0x32: {  	[tilespmem:$0x3130] =	vst v0  }
0x33: {  	[tilespmem:$0x3140] =	vst v0  }
0x34: {  	[tilespmem:$0x3150] =	vst v0  }
0x35: {  	[tilespmem:$0x3160] =	vst v0  }
0x36: {  	[tilespmem:$0x3170] =	vst v0  }
0x37: {  	[tilespmem:$0x2E80] =	vst v1  }
0x38: {  	[tilespmem:$0x2E90] =	vst v1  }
0x39: {  	[tilespmem:$0x2EA0] =	vst v1  }
0x3a: {  	[tilespmem:$0x2EB0] =	vst v1  }
0x3b: {  	[tilespmem:$0x2EC0] =	vst v1  }
0x3c: {  	[tilespmem:$0x2ED0] =	vst v1  }
0x3d: {  	[tilespmem:$0x2EE0] =	vst v1  }
0x3e: {  	[tilespmem:$0x2EF0] =	vst v1  }
0x3f: {  	[spmem:s4] =	stream.linear.scatter [tilespmem:s8], [sflag:$0x2], $0x280, $0x38;
	[tilespmem:$0x3180] =	vst v63  }
0x40: {  	_ =	swait.ge [sflag:s9], $0x280  }
0x41: {  	[sflag:s9] =	ssyncset.done $0x0  }
0x42: {  	[sflag:s9] =	ssyncadd.s32 $0xFFFFFD80  }
0x43: {  	[tilespmem:s10], [sflag:$0x2] =	stream.linear.gather [hbm4b:s5+s3], $0x2900, $0x38;
	[tilespmem:$0x3180] =	vst v63  }
0x44: {  	_ =	swait.ge [sflag:s9], $0x2900  }
0x45: {  	[sflag:s9] =	ssyncset.done $0x0  }
0x46: {  	[sflag:s9] =	ssyncadd.s32 $0xFFFFD700  }
0x47: {  	s16 =	simm.s32 $0x0;
	[bflag:$0x0] =	sbarrier.arrive $0xFFFF  }
.LBB2_2:
0x48: {  	p0 =	sne.s32 s16, $0xA200  }
.Ltmp0:
0x49: {  	_ = 	snop;
	(pc) =	sbr.rel @p0 .LBB2_2-.Ltmp0, $4  }
0x4a: {  	_ = 	snop  }
0x4b: {  	s17 =	sshra.s32 s16, $0x2  }
0x4c: {  	s16 =	sadd.s32 $0x200, s16;
	s17 =	sadd.s32 $0x280, s17  }
0x4d: {  	[spmem:s2] =	stream.indirect.scatter.add.f32 [tilespmem:s12], [sflag:$0x1], $0x1, s17, s11, $0xb8;
	[tilespmem:$0x3180] =	vst v63  }
0x4e: {  	_ =	swait.ge [sflag:s13], $0x80  }
0x4f: {  	s16 =	simm.s32 $0x51;
	[sflag:s13] =	ssyncset.done $0x0  }
.LBB2_4:
0x50: {  	p0 =	sne.s32 s16, $0x1;
	s16 =	sadd.s32 $0xFFFFFFFF, s16;
	[sflag:s13] =	ssyncadd.s32 $0xFFFFFF80  }
.Ltmp1:
0x51: {  	(pc) =	sbr.rel @p0 .LBB2_4-.Ltmp1, $3  }
0x52: {  	_ =	sdelay $0x1  }
0x53: {  	_ =	swait.ge [sflag:s13], $0x80  }
0x54: {  	[sflag:s13] =	ssyncset.done $0x0  }
0x55: {  	[sflag:s13] =	ssyncadd.s32 $0xFFFFFF80  }
0x56: {  	[bflag:$0x0] =	sbarrier.arrive $0xFFFF  }
0x57: {  	[tilespmem:s8], [sflag:$0x2] =	stream.linear.gather [spmem:s4], $0x280, $0x38;
	[tilespmem:$0x3180] =	vst v63  }
0x58: {  	s15 =	sadd.s32 $0x1, s15;
	_ =	swait.ge [sflag:s9], $0x280  }
0x59: {  	p0 =	sne.s32 s15, s7;
	[sflag:s9] =	ssyncset.done $0x0  }
.Ltmp2:
0x5a: {  	[sflag:s9] =	ssyncadd.s32 $0xFFFFFD80;
	(pc) =	sbr.rel @p0 .LBB2_1-.Ltmp2, $4  }
0x5b: {  	[hbm4b:s6+s11] =	stream.strided.scatter [tilespmem:s8], [sflag:$0x2], $0x280, s14, s11, $0x38;
	[tilespmem:$0x3180] =	vst v63  }
0x5c: {  	_ =	swait.ge [sflag:s9], $0x280  }
0x5d: {  	[sflag:s9] =	ssyncset.done $0x0  }
0x5e: {  	[sflag:s9] =	ssyncadd.s32 $0xFFFFFD80  }
0x5f: {  	_ =	sfence.sel $0x180000  }
0x60: {  	[bflag:$0x0] =	sbarrier.arrive $0xFFFF  }
0x61: {  	p0 =	sne.s32 s1, $0x0;
	_ =	strace $0x90000047  }
0x62: {  	s0 =	sadd.s32 @!p0 $0x100000, s0;
	[bflag:$0x2] =	sbarrier.arrive $0xFFFF  }
0x63: {  	[sflag:s0] =	ssyncadd.tile.s32 @!p0 $0x1;
	_ =	shalt  }
.Lfunc_end2:
_tile_overlayer_lowered:
.L_overlay_start_2:
0x64: {  	(tag) =	ssettag $0x2  }
0x65: {  	s0 =	rddreg [dreg:$0x0];
	s2 =	stileid.u32  }
0x66: {  	s1 =	rddreg [dreg:$0x1];
	p0 =	sne.s32 s2, $0x0  }
0x67: {  	s3 =	rddreg [dreg:$0x2];
	[bflag:$0x3] =	sbarrier.arrive $0xFFFF;
	s2 =	simm.s32 @!p0 $0x1C02  }
0x68: {  	[timem:s3], [sflag:s2] =	dma.local @!p0 [hbm:s0], s1  }
0x69: {  	s0 =	simm.s32 @!p0 $0x2  }
0x6a: {  	_ =	swait.ge @!p0 [sflag:s0], s1  }
0x6b: {  	s1 =	ssub.s32 @!p0 $0x0, s1;
	[sflag:s0] =	ssyncset.done @!p0 $0x0  }
0x6c: {  	[sflag:s0] =	ssyncadd.s32 @!p0 s1  }
0x6d: {  	[bflag:$0x3] =	sbarrier.arrive $0xFFFF  }
0x6e: {  	_ =	shalt  }

// kernel: kernel.9.cloned.1.call-start
scs
__scs_entry_jumppad:
0x0: {  	(pc) =	sbr.rel $0x88, $3  }
0x1: {  	(tag) =	ssettag $0x0;
	lr =	simm.s32 $0x1  }
0x2: {  	[smem:$0x3F99] =	sst lr;
	_ =	strace $0xD0000000  }
0x3: {  	_ = 	snop  }
0x4: {  	_ = 	snop  }
0x5: {  	_ = 	snop  }
0x6: {  	_ = 	snop  }
0x7: {  	_ = 	snop  }
__scs_overlays_trampoline_lowered:
0x8: {  	[smem:$0x3FA8] =	sst s0  }
0x9: {  	[smem:$0x3FA9] =	sst s1  }
0xa: {  	[smem:$0x3FAA] =	sst s2  }
0xb: {  	[smem:$0x3FAB] =	sst s3  }
0xc: {  	[smem:$0x3FAC] =	sst s4  }
0xd: {  	[smem:$0x3FAD] =	sst s5  }
0xe: {  	[smem:$0x3FAE] =	sst s6  }
0xf: {  	[smem:$0x3FAF] =	sst s7  }
0x10: {  	[smem:$0x3FB0] =	sst s8  }
0x11: {  	[smem:$0x3FB1] =	sst s9;
	s0 =	simm.s32 @!p0 $0x0  }
0x12: {  	s1 =	sld [smem:$0x3F97];
	s0 =	simm.s32 @p0 $0x1  }
0x13: {  	[smem:$0x3FB2] =	sst s0;
	s0 =	simm.s32 @!p1 $0x0  }
0x14: {  	s2 =	sld [smem:$0x3F96];
	s0 =	simm.s32 @p1 $0x1  }
0x15: {  	[smem:$0x3FB3] =	sst s0;
	s0 =	simm.s32 @!p2 $0x0  }
0x16: {  	s3 =	sld [smem:$0x3FDB];
	s0 =	simm.s32 @p2 $0x1  }
0x17: {  	s4 =	simm.s32 $0x1BF5;
	[smem:$0x3FB5] =	sst s0  }
0x18: {  	s0 =	sld [smem:$0x3F98];
	_ =	swait.ge [sflag:s4], $0x0  }
0x19: {  	s7 =	sld [smem:$0x3F99]  }
0x1a: {  	s8 =	sadd.s32 $0xFFFFE003, lr  }
0x1b: {  	s9 =	sadd.s32 $0xFFFFFEF7, lr;
	s5 =	simm.s32 $0xFFFFFFFF;
	p2 =	slt.u32 s8, $0xFFFFF086  }
0x1c: {  	p1 =	slt.u32 s9, $0xF7A;
	s5 =	simm.s32 @!p2 $0x0  }
0x1d: {  	s5 =	simm.s32 @p1 $0x1;
	p0 =	seq.s32 s7, s2  }
0x1e: {  	s7 =	smul.u32 @!p0 $0xF7A, s2;
	p2 =	seq.s32 @!p0 s5, $0x0  }
0x1f: {  	s9 =	smul.u32 $0xF7A, s1;
	s8 =	simm.s32 @!p0 $0x1BF5;
	p2 =	por !p2, p0  }
0x20: {  	[sflag:s8] =	ssyncset.s32 @!p0 $0xFFFFF086;
	s6 =	sadd.s32 @!p0 s3, s7;
	s7 =	simm.s32 @!p0 $0x108  }
0x21: {  	s3 =	sadd.s32 s3, s9;
	s6 =	sadd.s32 @!p0 $0x88, s6;
	s7 =	simm.s32 @p2 $0x1082  }
0x22: {  	[simem:s7], [sflag:s8] =	dma.local @!p0 [hbm:s6], $0xF7A  }
0x23: {  	s9 =	sor.u32 $0xD0000000, s2;
	s6 =	simm.s32 $0x108;
	_ =	swait.ge @!p0 [sflag:s8], $0x0  }
0x24: {  	s3 =	sadd.s32 $0x88, s3;
	s6 =	simm.s32 @!p1 $0x1082;
	[sflag:s4] =	ssyncset.s32 $0xFFFFF086  }
0x25: {  	[simem:s6], [sflag:s4] =	dma.local [hbm:s3], $0xF7A  }
0x26: {  	[smem:$0x3F99] =	sst s1;
	(tag) =	ssettag s2;
	_ =	strace s9  }
0x27: {  	s1 =	sld [smem:$0x3FA9]  }
0x28: {  	s2 =	sld [smem:$0x3FAA]  }
0x29: {  	s4 =	sld [smem:$0x3FAC]  }
0x2a: {  	p0 =	seq.s32 s5, $0x0;
	s5 =	sld [smem:$0x3FAD]  }
0x2b: {  	s6 =	sld [smem:$0x3FAE]  }
0x2c: {  	s7 =	sld [smem:$0x3FAF]  }
0x2d: {  	s3 =	simm.s32 $0x108;
	s8 =	sld [smem:$0x3FB0]  }
0x2e: {  	s3 =	simm.s32 @!p0 $0x1082;
	s9 =	sld [smem:$0x3FB1]  }
0x2f: {  	lr =	sadd.s32 s0, s3;
	s0 =	sld [smem:$0x3FA8]  }
0x30: {  	s3 =	sld [smem:$0x3FAB]  }
0x31: {  	[smem:$0x3FB4] =	sst s10  }
0x32: {  	s10 =	sld [smem:$0x3FB2];
	_ =	sdelay $0x3  }
0x33: {  	p0 =	seq.s32 s10, $0x1;
	s10 =	sld [smem:$0x3FB4];
	_ =	sdelay $0x3  }
0x34: {  	[smem:$0x3FB4] =	sst s10  }
0x35: {  	s10 =	sld [smem:$0x3FB3];
	_ =	sdelay $0x3  }
0x36: {  	p1 =	seq.s32 s10, $0x1;
	s10 =	sld [smem:$0x3FB4];
	_ =	sdelay $0x3  }
0x37: {  	[smem:$0x3FB4] =	sst s10  }
0x38: {  	s10 =	sld [smem:$0x3FB5]  }
0x39: {  	_ = 	snop;
	(pc) =	sbr.ind lr, $3  }
0x3a: {  	_ = 	snop  }
0x3b: {  	_ = 	snop  }
0x3c: {  	p2 =	seq.s32 s10, $0x1;
	s10 =	sld [smem:$0x3FB4]  }
0x3d: {  	_ =	shalt  }
0x3e: {  	_ =	shalt  }
0x3f: {  	_ =	shalt  }
0x40: {  	_ =	shalt  }
0x41: {  	_ =	shalt  }
0x42: {  	_ =	shalt  }
0x43: {  	_ =	shalt  }
0x44: {  	_ =	shalt  }
0x45: {  	_ =	shalt  }
0x46: {  	_ =	shalt  }
0x47: {  	_ =	shalt  }
0x48: {  	_ =	shalt  }
0x49: {  	_ =	shalt  }
0x4a: {  	_ =	shalt  }
0x4b: {  	_ =	shalt  }
0x4c: {  	_ =	shalt  }
0x4d: {  	_ =	shalt  }
0x4e: {  	_ =	shalt  }
0x4f: {  	_ =	shalt  }
0x50: {  	_ =	shalt  }
0x51: {  	_ =	shalt  }
0x52: {  	_ =	shalt  }
0x53: {  	_ =	shalt  }
0x54: {  	_ =	shalt  }
0x55: {  	_ =	shalt  }
0x56: {  	_ =	shalt  }
0x57: {  	_ =	shalt  }
0x58: {  	_ =	shalt  }
0x59: {  	_ =	shalt  }
0x5a: {  	_ =	shalt  }
0x5b: {  	_ =	shalt  }
0x5c: {  	_ =	shalt  }
0x5d: {  	_ =	shalt  }
0x5e: {  	_ =	shalt  }
0x5f: {  	_ =	shalt  }
0x60: {  	_ =	shalt  }
0x61: {  	_ =	shalt  }
0x62: {  	_ =	shalt  }
0x63: {  	_ =	shalt  }
0x64: {  	_ =	shalt  }
0x65: {  	_ =	shalt  }
0x66: {  	_ =	shalt  }
0x67: {  	_ =	shalt  }
0x68: {  	_ =	shalt  }
0x69: {  	_ =	shalt  }
0x6a: {  	_ =	shalt  }
0x6b: {  	_ =	shalt  }
0x6c: {  	_ =	shalt  }
0x6d: {  	_ =	shalt  }
0x6e: {  	_ =	shalt  }
0x6f: {  	_ =	shalt  }
0x70: {  	_ =	shalt  }
0x71: {  	_ =	shalt  }
0x72: {  	_ =	shalt  }
0x73: {  	_ =	shalt  }
0x74: {  	_ =	shalt  }
0x75: {  	_ =	shalt  }
0x76: {  	_ =	shalt  }
0x77: {  	_ =	shalt  }
0x78: {  	_ =	shalt  }
0x79: {  	_ =	shalt  }
0x7a: {  	_ =	shalt  }
0x7b: {  	_ =	shalt  }
0x7c: {  	_ =	shalt  }
0x7d: {  	_ =	shalt  }
0x7e: {  	_ =	shalt  }
0x7f: {  	_ =	shalt  }
0x80: {  	_ =	shalt  }
0x81: {  	_ =	shalt  }
0x82: {  	_ =	shalt  }
0x83: {  	_ =	shalt  }
0x84: {  	_ =	shalt  }
0x85: {  	_ =	shalt  }
0x86: {  	_ =	shalt  }
0x87: {  	_ =	shalt  }
.Lfunc_end0:
.L_simem_size_0:
called_computation.1_lowered:
.L_overlay_start_0:
0x88: {  	s2 =	sld [smem:$0x3FD9]  }
0x89: {  	s3 =	sld [smem:$0x3FFE];
	_ =	sdelay $0x1  }
0x8a: {  	s1 =	srdreg.scid  }
0x8b: {  	s0 =	sand.u32 $0x1, s1  }
0x8c: {  	s17 =	sshll.u32 s0, $0xA;
	s2 =	sadd.s32 s3, s2  }
0x8d: {  	s2 =	sadd.s32 s2, s17  }
0x8e: {  	[smem:$0x3FC0] =	sst s2  }
0x8f: {  	_ = 	snop  }
0x90: {  	s2 =	sld [smem:$0x3FD0];
	(tm) =	ssettm $0x1  }
0x91: {  	s18 =	sld [smem:$0x3FFB];
	_ =	sdelay $0x3  }
0x92: {  	_ =	strace s18  }
0x93: {  	s3 =	sld [smem:$0x3FFC];
	_ =	sdelay $0x3  }
0x94: {  	_ =	strace s3  }
0x95: {  	s3 =	sld [smem:$0x3FFD];
	_ =	sdelay $0x3  }
0x96: {  	_ =	strace s3  }
0x97: {  	_ =	strace $0x8FFFFFFF  }
0x98: {  	s19 =	sld [smem:$0x3FDB];
	_ =	sdelay $0x1  }
0x99: {  	s4 =	simm.s32 $_scs_section_size  }
0x9a: {  	s5 =	simm.s32 $_size__tile_overlayer_lowered;
	s6 =	simm.s32 $_tile_overlayer_lowered  }
0x9b: {  	s22 =	simm.s32 $0x1BFF;
	s21 =	sshll.u32 s6, $0x1;
	s3 =	sadd.s32 s4, s19  }
0x9c: {  	s7 =	simm.s32 $0x0;
	s20 =	sshll.u32 s5, $0x1;
	s5 =	sadd.s32 s21, s3  }
0x9d: {  	[timem:s7], [sflag:s22] =	dma.local [hbm:s5], s20  }
0x9e: {  	_ =	swait.ge [sflag:s22], s20  }
0x9f: {  	s4 =	ssub.s32 $0x0, s20;
	[sflag:s22] =	ssyncset.done $0x0  }
0xa0: {  	[sflag:s22] =	ssyncadd.s32 s4;
	_ =	sdelay $0x1  }
0xa1: {  	s23 =	simm.s32 $0x1B8B  }
0xa2: {  	_ =	swait.ge [sflag:s23], $0x1  }
0xa3: {  	[sflag:s23] =	ssyncset.done $0x0  }
0xa4: {  	s25 =	simm.s32 $0x1B8E;
	s24 =	sld [smem:$0x3FFE];
	[sflag:s23] =	ssyncadd.s32 $0xFFFFFFFF  }
0xa5: {  	s26 =	simm.s32 $execute0_lowered;
	[smem:$0x3FD2] =	sst s25  }
0xa6: {  	s5 =	sshll.u32 s26, $0x1;
	_ =	strace $0x80000049;
	[dreg:$0x1] =	wrdreg $0xFFFFFFFF  }
0xa7: {  	s28 =	simm.s32 $_size_execute0_lowered;
	s3 =	sadd.s32 s3, s5;
	[dreg:$0x0] =	wrdreg $0x0  }
0xa8: {  	s5 =	sshll.u32 s28, $0x1;
	[dreg:$0x2] =	wrdreg s3  }
0xa9: {  	[dreg:$0x3] =	wrdreg s5  }
0xaa: {  	[dreg:$0x4] =	wrdreg $0xC0  }
0xab: {  	_ =	task [dreg:s7], $0x5FFFF  }
0xac: {  	[dreg:$0x1] =	wrdreg $0xFFFFFFFF  }
0xad: {  	[dreg:$0x0] =	wrdreg $0x60  }
0xae: {  	[dreg:$0x2] =	wrdreg s24  }
0xaf: {  	[dreg:$0x3] =	wrdreg s2  }
0xb0: {  	[dreg:$0x4] =	wrdreg $0x0  }
0xb1: {  	[dreg:$0x5] =	wrdreg $0x9  }
0xb2: {  	_ =	task.clear_ibuf [dreg:s7], $0x6FFFF;
	_ =	strace $0x90000049  }
0xb3: {  	s29 =	simm.s32 $0x9;
	_ =	strace $0x8000004B  }
0xb4: {  	_ =	swait.ge [sflag:s29], $0x1  }
0xb5: {  	[sflag:s29] =	ssyncadd.s32 $0xFFFFFFFF  }
0xb6: {  	_ =	strace $0x9000004B  }
0xb7: {  	_ =	sfence  }
0xb8: {  	s30 =	sld [smem:$0x0];
	_ =	sdelay $0x2  }
0xb9: {  	s31 =	sshll.u32 s1, $0xD;
	s1 =	sshrl.u32 s1, $0x2  }
0xba: {  	s3 =	sand.u32 $0x4000, s31;
	s1 =	sadd.s32 s1, s30  }
0xbb: {  	s0 =	sor.u32 s3, s0;
	s1 =	sshll.u32 s1, $0x11  }
0xbc: {  	s0 =	sor.u32 s1, s0  }
0xbd: {  	s0 =	sadd.s32 $0x8F2B, s0  }
0xbe: {  	[sflag:s0] =	ssyncadd.remote.s32 $0x1  }
0xbf: {  	_ =	sfence.sel $0xFFFF  }
0xc0: {  	[dreg:$0x0] =	wrdreg $0xFFFFFFFF;
	(pc) =	sbr.abs _section_cstart, $3  }
0xc1: {  	[dreg:$0x1] =	wrdreg $0xFFFFFFFF  }
0xc2: {  	_ =	task.clear_ibuf [dreg:s7], $0x2FFFF;
	_ =	strace $0x9FFFFFFF  }
0xc3: {  	(tm) =	ssettm $0x7FFFFFFF  }
tec
execute0_lowered:
.L_overlay_start_1:
0x0: {  	(tag) =	ssettag $0x1  }
0x1: {  	s0 =	rddreg [dreg:$0x0]  }
0x2: {  	s3 =	rddreg [dreg:$0x1]  }
0x3: {  	s1 =	rddreg [dreg:$0x2]  }
0x4: {  	s2 =	simm.s32 $0x0;
	s4 =	srdreg.scid;
	s11 =	stileid.u32  }
0x5: {  	s28 =	simm.s32 $0x15C00;
	s29 =	simm.s32 $0x80;
	s30 =	simm.s32 $0x14080  }
0x6: {  	s31 =	simm.s32 $0x1B800;
	[smem:$0x7FF] =	sst s2;
	s6 =	sand.u32 $0x1, s4  }
0x7: {  	s4 =	sadd.s32 $0xD200, s0;
	s7 =	smul.u32 $0x50000, s11;
	s8 =	sadd.s32 $0x2200, s0  }
0x8: {  	s0 =	sadd.s32 $0x35200, s0;
	_ =	strace $0x8000004A;
	s5 =	sshll.u32 s6, $0x4  }
0x9: {  	s9 =	ssub.s32 $0x2, s6;
	s6 =	smul.u32 $0x140000, s6;
	s5 =	sor.u32 s11, s5  }
0xa: {  	s24 =	sshrl.u32 s9, $0x1;
	s7 =	sshrl.u32 s7, $0x2;
	s11 =	smul.u32 $0x14000, s11  }
0xb: {  	s10 =	smul.u32 $0x2C00, s5;
	s9 =	ssub.s32 s9, s24;
	s5 =	sadd.s32 s7, s1  }
0xc: {  	s16 =	smax.u32 s9, $0x1;
	s17 =	sadd.s32 $0x4000, s5;
	s12 =	sadd.s32 $0x8000, s5  }
0xd: {  	s18 =	sadd.s32 s6, s11;
	s19 =	sadd.s32 $0x4000, s11;
	s13 =	sadd.s32 $0xC000, s5  }
0xe: {  	s14 =	sadd.s32 $0x10000, s5;
	s22 =	sadd.s32 $0x8000, s11;
	[dreg:$0x8] =	wrdreg s16  }
0xf: {  	s23 =	sadd.s32 $0xC000, s11;
	s25 =	sshrl.u32 s10, $0x3;
	[dreg:$0x9] =	wrdreg s17  }
0x10: {  	s20 =	sadd.s32 s6, s19;
	s16 =	sadd.s32 s19, s1;
	s24 =	sadd.s32 s6, s23  }
0x11: {  	s10 =	sadd.s32 s8, s25;
	s26 =	sadd.s32 $0x380, s25;
	s7 =	sadd.s32 s3, s25  }
0x12: {  	s21 =	sshrl.u32 s20, $0x3;
	s25 =	sshrl.u32 s24, $0x3;
	[dreg:$0x4] =	wrdreg s10  }
0x13: {  	s20 =	sadd.s32 s23, s1;
	s24 =	simm.s32 $0x17800;
	[dreg:$0x5] =	wrdreg s7  }
0x14: {  	s8 =	sadd.s32 s8, s26;
	s3 =	sadd.s32 s3, s26;
	s17 =	sadd.s32 s0, s21  }
0x15: {  	s7 =	sadd.s32 $0x10000, s11;
	s21 =	sadd.s32 s0, s25;
	[dreg:$0x6] =	wrdreg s8  }
0x16: {  	s25 =	simm.s32 $0x5;
	[dreg:$0x7] =	wrdreg s3;
	s3 =	sshrl.u32 s18, $0x3  }
0x17: {  	s18 =	sadd.s32 s22, s1;
	s8 =	simm.s32 $0x0;
	s15 =	sadd.s32 s0, s3  }
0x18: {  	s3 =	sadd.s32 s6, s22;
	s6 =	sadd.s32 s6, s7;
	s22 =	sadd.s32 s7, s1  }
0x19: {  	s7 =	simm.s32 $0x4;
	s3 =	sshrl.u32 s3, $0x3;
	s26 =	sshrl.u32 s6, $0x3  }
0x1a: {  	s6 =	simm.s32 $0x3;
	s19 =	sadd.s32 s0, s3;
	s23 =	sadd.s32 s0, s26  }
0x1b: {  	v0 =	vimm.f32 $0.0e+00;
	s26 =	simm.s32 $0x14000;
	s0 =	simm.s32 $0x1;
	s3 =	simm.s32 $0x2  }
.LBB2_1:
0x1c: {  	s9 =	simm.s32 $0x0;
	s10 =	simm.s32 $0x200  }
.LBB2_2:
0x1d: {  	p0 =	sne.s32 s10, $0xFE00;
	[tilespmem:s9+$0x17870] =	vst v0  }
0x1e: {  	[tilespmem:s9+$0x17800] =	vst v0  }
0x1f: {  	[tilespmem:s9+$0x17810] =	vst v0  }
.Ltmp0:
0x20: {  	[tilespmem:s9+$0x17820] =	vst v0;
	(pc) =	sbr.rel @p0 .LBB2_2-.Ltmp0, $4  }
0x21: {  	[tilespmem:s9+$0x17830] =	vst v0  }
0x22: {  	[tilespmem:s9+$0x17840] =	vst v0  }
0x23: {  	[tilespmem:s9+$0x17850] =	vst v0  }
0x24: {  	[tilespmem:s9+$0x17860] =	vst v0;
	s9 =	sshra.s32 s10, $0x2;
	s10 =	sadd.s32 $0x200, s10  }
0x25: {  	[tilespmem:s9+$0x17870] =	vst v0  }
0x26: {  	[tilespmem:s9+$0x17800] =	vst v0  }
0x27: {  	[tilespmem:s9+$0x17810] =	vst v0  }
0x28: {  	[tilespmem:s9+$0x17820] =	vst v0  }
0x29: {  	[tilespmem:s9+$0x17830] =	vst v0  }
0x2a: {  	[tilespmem:s9+$0x17840] =	vst v0  }
0x2b: {  	[tilespmem:s9+$0x17850] =	vst v0  }
0x2c: {  	[tilespmem:s9+$0x17860] =	vst v0  }
0x2d: {  	[spmem:s5] =	stream.linear.scatter [tilespmem:s24], [sflag:$0x5], $0x4000, $0x38;
	[tilespmem:$0x1F800] =	vst v63  }
0x2e: {  	_ =	swait.ge [sflag:s25], $0x4000  }
0x2f: {  	[sflag:s25] =	ssyncset.done $0x0  }
0x30: {  	s10 =	rddreg [dreg:$0x9];
	[sflag:s25] =	ssyncadd.s32 $0xFFFFC000  }
0x31: {  	[spmem:s10] =	stream.linear.scatter [tilespmem:s24], [sflag:$0x5], $0x4000, $0x38;
	[tilespmem:$0x1F800] =	vst v63  }
0x32: {  	_ =	swait.ge [sflag:s25], $0x4000  }
0x33: {  	[sflag:s25] =	ssyncset.done $0x0  }
0x34: {  	[sflag:s25] =	ssyncadd.s32 $0xFFFFC000  }
0x35: {  	[spmem:s12] =	stream.linear.scatter [tilespmem:s24], [sflag:$0x5], $0x4000, $0x38;
	[tilespmem:$0x1F800] =	vst v63  }
0x36: {  	_ =	swait.ge [sflag:s25], $0x4000  }
0x37: {  	[sflag:s25] =	ssyncset.done $0x0  }
0x38: {  	[sflag:s25] =	ssyncadd.s32 $0xFFFFC000  }
0x39: {  	[spmem:s13] =	stream.linear.scatter [tilespmem:s24], [sflag:$0x5], $0x4000, $0x38;
	[tilespmem:$0x1F800] =	vst v63  }
0x3a: {  	_ =	swait.ge [sflag:s25], $0x4000  }
0x3b: {  	[sflag:s25] =	ssyncset.done $0x0  }
0x3c: {  	[sflag:s25] =	ssyncadd.s32 $0xFFFFC000  }
0x3d: {  	[spmem:s14] =	stream.linear.scatter [tilespmem:s24], [sflag:$0x5], $0x4000, $0x38;
	[tilespmem:$0x1F800] =	vst v63  }
0x3e: {  	_ =	swait.ge [sflag:s25], $0x4000  }
0x3f: {  	[sflag:s25] =	ssyncset.done $0x0  }
0x40: {  	[sflag:s25] =	ssyncadd.s32 $0xFFFFC000  }
0x41: {  	[bflag:$0x0] =	sbarrier.arrive $0xFFFF  }
0x42: {  	s9 =	simm.s32 $0x0;
	s10 =	rddreg [dreg:$0x4]  }
0x43: {  	[tilespmem:s26], [sflag:$0x5] =	stream.linear.gather [hbm4b:s10+s9], $0x1C00, $0x38;
	[tilespmem:$0x1F800] =	vst v63  }
0x44: {  	_ =	swait.ge [sflag:s25], $0x1C00  }
0x45: {  	[sflag:s25] =	ssyncset.done $0x0  }
0x46: {  	s11 =	rddreg [dreg:$0x5];
	[sflag:s25] =	ssyncadd.s32 $0xFFFFE400  }
0x47: {  	[tilespmem:s28], [sflag:$0x5] =	stream.linear.gather [hbm4b:s11+s9], $0x1C00, $0x38;
	[tilespmem:$0x1F800] =	vst v63  }
0x48: {  	_ =	swait.ge [sflag:s25], $0x1C00  }
0x49: {  	[sflag:s25] =	ssyncset.done $0x0  }
0x4a: {  	[sflag:s25] =	ssyncadd.s32 $0xFFFFE400  }
0x4b: {  	[tilespmem:s24], [sflag:$0x1] =	stream.indirect.gather [hbm4b:s4+s29], $0x80, s26, s29, $0xb8;
	[tilespmem:$0x1F800] =	vst v63  }
0x4c: {  	_ = 	snop  }
0x4d: {  	[tilespmem:s31], [sflag:$0x2] =	stream.indirect.gather [hbm4b:s4+s29], $0x80, s30, s29, $0xb8;
	[tilespmem:$0x1F800] =	vst v63  }
0x4e: {  	_ =	swait.ge [sflag:s0], $0x4000  }
0x4f: {  	[sflag:s0] =	ssyncset.done $0x0  }
0x50: {  	s11 =	simm.s32 $0x15C00;
	[sflag:s0] =	ssyncadd.s32 $0xFFFFC000  }
0x51: {  	[spmem:s1] =	stream.indirect.scatter.add.f32 [tilespmem:s24], [sflag:$0x3], $0x80, s11, s29, $0xb8;
	[tilespmem:$0x1F800] =	vst v63  }
0x52: {  	_ =	swait.ge [sflag:s3], $0x4000  }
0x53: {  	[sflag:s3] =	ssyncset.done $0x0  }
0x54: {  	s10 =	simm.s32 $0x15C80;
	[sflag:s3] =	ssyncadd.s32 $0xFFFFC000  }
0x55: {  	[spmem:s1] =	stream.indirect.scatter.add.f32 [tilespmem:s31], [sflag:$0x4], $0x80, s10, s29, $0xb8;
	[tilespmem:$0x1F800] =	vst v63  }
0x56: {  	_ =	swait.ge [sflag:s6], $0x4000  }
0x57: {  	[sflag:s6] =	ssyncset.done $0x0  }
0x58: {  	s11 =	simm.s32 $0x14100;
	[sflag:s6] =	ssyncadd.s32 $0xFFFFC000  }
0x59: {  	[tilespmem:s24], [sflag:$0x1] =	stream.indirect.gather [hbm4b:s4+s29], $0x80, s11, s29, $0xb8;
	[tilespmem:$0x1F800] =	vst v63  }
0x5a: {  	_ =	swait.ge [sflag:s7], $0x4000  }
0x5b: {  	[sflag:s7] =	ssyncset.done $0x0  }
0x5c: {  	s9 =	simm.s32 $0x400;
	s10 =	simm.s32 $0x14180;
	[sflag:s7] =	ssyncadd.s32 $0xFFFFC000  }
.LBB2_4:
0x5d: {  	[tilespmem:s31], [sflag:$0x2] =	stream.indirect.gather [hbm4b:s4+s29], $0x80, s10, s29, $0xb8;
	[tilespmem:$0x1F800] =	vst v63  }
0x5e: {  	s10 =	smov.u32 s9  }
0x5f: {  	p0 =	sne.s32 s9, $0x6800;
	s9 =	sadd.s32 $0x400, s9;
	_ =	swait.ge [sflag:s0], $0x4000  }
0x60: {  	s10 =	sshra.s32 s10, $0x2;
	[sflag:s0] =	ssyncset.done $0x0  }
0x61: {  	s11 =	sadd.s32 $0x15C00, s10;
	[sflag:s0] =	ssyncadd.s32 $0xFFFFC000  }
0x62: {  	[spmem:s1] =	stream.indirect.scatter.add.f32 [tilespmem:s24], [sflag:$0x3], $0x80, s11, s29, $0xb8;
	[tilespmem:$0x1F800] =	vst v63  }
0x63: {  	_ =	swait.ge [sflag:s3], $0x4000  }
0x64: {  	[sflag:s3] =	ssyncset.done $0x0  }
0x65: {  	s11 =	sadd.s32 $0x15C80, s10;
	[sflag:s3] =	ssyncadd.s32 $0xFFFFC000  }
0x66: {  	[spmem:s1] =	stream.indirect.scatter.add.f32 [tilespmem:s31], [sflag:$0x4], $0x80, s11, s29, $0xb8;
	[tilespmem:$0x1F800] =	vst v63  }
0x67: {  	_ =	swait.ge [sflag:s6], $0x4000  }
0x68: {  	[sflag:s6] =	ssyncset.done $0x0  }
.Ltmp1:
0x69: {  	s11 =	sadd.s32 $0x14100, s10;
	[sflag:s6] =	ssyncadd.s32 $0xFFFFC000;
	(pc) =	sbr.rel @p0 .LBB2_4-.Ltmp1, $4  }
0x6a: {  	[tilespmem:s24], [sflag:$0x1] =	stream.indirect.gather [hbm4b:s4+s29], $0x80, s11, s29, $0xb8;
	[tilespmem:$0x1F800] =	vst v63  }
0x6b: {  	_ =	swait.ge [sflag:s7], $0x4000  }
0x6c: {  	[sflag:s7] =	ssyncset.done $0x0  }
0x6d: {  	s10 =	sadd.s32 $0x14180, s10;
	[sflag:s7] =	ssyncadd.s32 $0xFFFFC000  }
0x6e: {  	[tilespmem:s31], [sflag:$0x2] =	stream.indirect.gather [hbm4b:s4+s29], $0x80, s10, s29, $0xb8;
	[tilespmem:$0x1F800] =	vst v63  }
0x6f: {  	_ =	swait.ge [sflag:s0], $0x4000  }
0x70: {  	[sflag:s0] =	ssyncset.done $0x0  }
0x71: {  	s9 =	simm.s32 $0x17700;
	[sflag:s0] =	ssyncadd.s32 $0xFFFFC000  }
0x72: {  	[spmem:s1] =	stream.indirect.scatter.add.f32 [tilespmem:s24], [sflag:$0x3], $0x80, s9, s29, $0xb8;
	[tilespmem:$0x1F800] =	vst v63  }
0x73: {  	_ =	swait.ge [sflag:s3], $0x4000  }
0x74: {  	[sflag:s3] =	ssyncset.done $0x0  }
0x75: {  	s10 =	simm.s32 $0x17780;
	[sflag:s3] =	ssyncadd.s32 $0xFFFFC000  }
0x76: {  	[spmem:s1] =	stream.indirect.scatter.add.f32 [tilespmem:s31], [sflag:$0x4], $0x80, s10, s29, $0xb8;
	[tilespmem:$0x1F800] =	vst v63  }
0x77: {  	_ =	swait.ge [sflag:s6], $0x4000  }
0x78: {  	[sflag:s6] =	ssyncset.done $0x0  }
0x79: {  	[sflag:s6] =	ssyncadd.s32 $0xFFFFC000  }
0x7a: {  	_ =	swait.ge [sflag:s7], $0x4000  }
0x7b: {  	[sflag:s7] =	ssyncset.done $0x0  }
0x7c: {  	s9 =	simm.s32 $0x0;
	s11 =	rddreg [dreg:$0x6];
	[sflag:s7] =	ssyncadd.s32 $0xFFFFC000  }
0x7d: {  	[tilespmem:s26], [sflag:$0x5] =	stream.linear.gather [hbm4b:s11+s9], $0xD00, $0x38;
	[tilespmem:$0x1F800] =	vst v63  }
0x7e: {  	_ =	swait.ge [sflag:s25], $0xD00  }
0x7f: {  	[sflag:s25] =	ssyncset.done $0x0  }
0x80: {  	s11 =	rddreg [dreg:$0x7];
	[sflag:s25] =	ssyncadd.s32 $0xFFFFF300  }
0x81: {  	[tilespmem:s28], [sflag:$0x5] =	stream.linear.gather [hbm4b:s11+s9], $0xD00, $0x38;
	[tilespmem:$0x1F800] =	vst v63  }
0x82: {  	_ =	swait.ge [sflag:s25], $0xD00  }
0x83: {  	[sflag:s25] =	ssyncset.done $0x0  }
0x84: {  	[sflag:s25] =	ssyncadd.s32 $0xFFFFF300  }
0x85: {  	[tilespmem:s24], [sflag:$0x1] =	stream.indirect.gather [hbm4b:s4+s29], $0x80, s26, s29, $0xb8;
	[tilespmem:$0x1F800] =	vst v63  }
0x86: {  	_ = 	snop  }
0x87: {  	[tilespmem:s31], [sflag:$0x2] =	stream.indirect.gather [hbm4b:s4+s29], $0x80, s30, s29, $0xb8;
	[tilespmem:$0x1F800] =	vst v63  }
0x88: {  	_ =	swait.ge [sflag:s0], $0x4000  }
0x89: {  	[sflag:s0] =	ssyncset.done $0x0  }
0x8a: {  	s11 =	simm.s32 $0x15C00;
	[sflag:s0] =	ssyncadd.s32 $0xFFFFC000  }
0x8b: {  	[spmem:s1] =	stream.indirect.scatter.add.f32 [tilespmem:s24], [sflag:$0x3], $0x80, s11, s29, $0xb8;
	[tilespmem:$0x1F800] =	vst v63  }
0x8c: {  	_ =	swait.ge [sflag:s3], $0x4000  }
0x8d: {  	[sflag:s3] =	ssyncset.done $0x0  }
0x8e: {  	s10 =	simm.s32 $0x15C80;
	[sflag:s3] =	ssyncadd.s32 $0xFFFFC000  }
0x8f: {  	[spmem:s1] =	stream.indirect.scatter.add.f32 [tilespmem:s31], [sflag:$0x4], $0x80, s10, s29, $0xb8;
	[tilespmem:$0x1F800] =	vst v63  }
0x90: {  	_ =	swait.ge [sflag:s6], $0x4000  }
0x91: {  	[sflag:s6] =	ssyncset.done $0x0  }
0x92: {  	s11 =	simm.s32 $0x14100;
	[sflag:s6] =	ssyncadd.s32 $0xFFFFC000  }
0x93: {  	[tilespmem:s24], [sflag:$0x1] =	stream.indirect.gather [hbm4b:s4+s29], $0x80, s11, s29, $0xb8;
	[tilespmem:$0x1F800] =	vst v63  }
0x94: {  	_ =	swait.ge [sflag:s7], $0x4000  }
0x95: {  	[sflag:s7] =	ssyncset.done $0x0  }
0x96: {  	s9 =	simm.s32 $0x400;
	s10 =	simm.s32 $0x14180;
	[sflag:s7] =	ssyncadd.s32 $0xFFFFC000  }
.LBB2_6:
0x97: {  	[tilespmem:s31], [sflag:$0x2] =	stream.indirect.gather [hbm4b:s4+s29], $0x80, s10, s29, $0xb8;
	[tilespmem:$0x1F800] =	vst v63  }
0x98: {  	s10 =	smov.u32 s9  }
0x99: {  	p0 =	sne.s32 s9, $0x2C00;
	s9 =	sadd.s32 $0x400, s9;
	_ =	swait.ge [sflag:s0], $0x4000  }
0x9a: {  	s10 =	sshra.s32 s10, $0x2;
	[sflag:s0] =	ssyncset.done $0x0  }
0x9b: {  	s11 =	sadd.s32 $0x15C00, s10;
	[sflag:s0] =	ssyncadd.s32 $0xFFFFC000  }
0x9c: {  	[spmem:s1] =	stream.indirect.scatter.add.f32 [tilespmem:s24], [sflag:$0x3], $0x80, s11, s29, $0xb8;
	[tilespmem:$0x1F800] =	vst v63  }
0x9d: {  	_ =	swait.ge [sflag:s3], $0x4000  }
0x9e: {  	[sflag:s3] =	ssyncset.done $0x0  }
0x9f: {  	s11 =	sadd.s32 $0x15C80, s10;
	[sflag:s3] =	ssyncadd.s32 $0xFFFFC000  }
0xa0: {  	[spmem:s1] =	stream.indirect.scatter.add.f32 [tilespmem:s31], [sflag:$0x4], $0x80, s11, s29, $0xb8;
	[tilespmem:$0x1F800] =	vst v63  }
0xa1: {  	_ =	swait.ge [sflag:s6], $0x4000  }
0xa2: {  	[sflag:s6] =	ssyncset.done $0x0  }
.Ltmp2:
0xa3: {  	s11 =	sadd.s32 $0x14100, s10;
	[sflag:s6] =	ssyncadd.s32 $0xFFFFC000;
	(pc) =	sbr.rel @p0 .LBB2_6-.Ltmp2, $4  }
0xa4: {  	[tilespmem:s24], [sflag:$0x1] =	stream.indirect.gather [hbm4b:s4+s29], $0x80, s11, s29, $0xb8;
	[tilespmem:$0x1F800] =	vst v63  }
0xa5: {  	_ =	swait.ge [sflag:s7], $0x4000  }
0xa6: {  	[sflag:s7] =	ssyncset.done $0x0  }
0xa7: {  	s10 =	sadd.s32 $0x14180, s10;
	[sflag:s7] =	ssyncadd.s32 $0xFFFFC000  }
0xa8: {  	[tilespmem:s31], [sflag:$0x2] =	stream.indirect.gather [hbm4b:s4+s29], $0x80, s10, s29, $0xb8;
	[tilespmem:$0x1F800] =	vst v63  }
0xa9: {  	_ =	swait.ge [sflag:s0], $0x4000  }
0xaa: {  	[sflag:s0] =	ssyncset.done $0x0  }
0xab: {  	s9 =	simm.s32 $0x16800;
	[sflag:s0] =	ssyncadd.s32 $0xFFFFC000  }
0xac: {  	[spmem:s1] =	stream.indirect.scatter.add.f32 [tilespmem:s24], [sflag:$0x3], $0x80, s9, s29, $0xb8;
	[tilespmem:$0x1F800] =	vst v63  }
0xad: {  	_ =	swait.ge [sflag:s3], $0x4000  }
0xae: {  	[sflag:s3] =	ssyncset.done $0x0  }
0xaf: {  	s10 =	simm.s32 $0x16880;
	[sflag:s3] =	ssyncadd.s32 $0xFFFFC000  }
0xb0: {  	[spmem:s1] =	stream.indirect.scatter.add.f32 [tilespmem:s31], [sflag:$0x4], $0x80, s10, s29, $0xb8;
	[tilespmem:$0x1F800] =	vst v63  }
0xb1: {  	_ =	swait.ge [sflag:s6], $0x4000  }
0xb2: {  	[sflag:s6] =	ssyncset.done $0x0  }
0xb3: {  	[sflag:s6] =	ssyncadd.s32 $0xFFFFC000  }
0xb4: {  	_ =	swait.ge [sflag:s7], $0x4000  }
0xb5: {  	[sflag:s7] =	ssyncset.done $0x0  }
0xb6: {  	[sflag:s7] =	ssyncadd.s32 $0xFFFFC000  }
0xb7: {  	[bflag:$0x0] =	sbarrier.arrive $0xFFFF  }
0xb8: {  	[tilespmem:s24], [sflag:$0x5] =	stream.linear.gather [spmem:s5], $0x4000, $0x38;
	[tilespmem:$0x1F800] =	vst v63  }
0xb9: {  	_ =	swait.ge [sflag:s25], $0x4000  }
0xba: {  	[sflag:s25] =	ssyncset.done $0x0  }
0xbb: {  	[sflag:s25] =	ssyncadd.s32 $0xFFFFC000  }
0xbc: {  	[hbm4b:s15+s2] =	stream.linear.scatter [tilespmem:s24], [sflag:$0x5], $0x4000, $0x38;
	[tilespmem:$0x1F800] =	vst v63  }
0xbd: {  	_ =	swait.ge [sflag:s25], $0x4000  }
0xbe: {  	[sflag:s25] =	ssyncset.done $0x0  }
0xbf: {  	[sflag:s25] =	ssyncadd.s32 $0xFFFFC000  }
0xc0: {  	[tilespmem:s24], [sflag:$0x5] =	stream.linear.gather [spmem:s16], $0x4000, $0x38;
	[tilespmem:$0x1F800] =	vst v63  }
0xc1: {  	_ =	swait.ge [sflag:s25], $0x4000  }
0xc2: {  	[sflag:s25] =	ssyncset.done $0x0  }
0xc3: {  	[sflag:s25] =	ssyncadd.s32 $0xFFFFC000  }
0xc4: {  	[hbm4b:s17+s2] =	stream.linear.scatter [tilespmem:s24], [sflag:$0x5], $0x4000, $0x38;
	[tilespmem:$0x1F800] =	vst v63  }
0xc5: {  	_ =	swait.ge [sflag:s25], $0x4000  }
0xc6: {  	[sflag:s25] =	ssyncset.done $0x0  }
0xc7: {  	[sflag:s25] =	ssyncadd.s32 $0xFFFFC000  }
0xc8: {  	[tilespmem:s24], [sflag:$0x5] =	stream.linear.gather [spmem:s18], $0x4000, $0x38;
	[tilespmem:$0x1F800] =	vst v63  }
0xc9: {  	_ =	swait.ge [sflag:s25], $0x4000  }
0xca: {  	[sflag:s25] =	ssyncset.done $0x0  }
0xcb: {  	[sflag:s25] =	ssyncadd.s32 $0xFFFFC000  }
0xcc: {  	[hbm4b:s19+s2] =	stream.linear.scatter [tilespmem:s24], [sflag:$0x5], $0x4000, $0x38;
	[tilespmem:$0x1F800] =	vst v63  }
0xcd: {  	_ =	swait.ge [sflag:s25], $0x4000  }
0xce: {  	[sflag:s25] =	ssyncset.done $0x0  }
0xcf: {  	[sflag:s25] =	ssyncadd.s32 $0xFFFFC000  }
0xd0: {  	[tilespmem:s24], [sflag:$0x5] =	stream.linear.gather [spmem:s20], $0x4000, $0x38;
	[tilespmem:$0x1F800] =	vst v63  }
0xd1: {  	_ =	swait.ge [sflag:s25], $0x4000  }
0xd2: {  	[sflag:s25] =	ssyncset.done $0x0  }
0xd3: {  	[sflag:s25] =	ssyncadd.s32 $0xFFFFC000  }
0xd4: {  	[hbm4b:s21+s2] =	stream.linear.scatter [tilespmem:s24], [sflag:$0x5], $0x4000, $0x38;
	[tilespmem:$0x1F800] =	vst v63  }
0xd5: {  	_ =	swait.ge [sflag:s25], $0x4000  }
0xd6: {  	[sflag:s25] =	ssyncset.done $0x0  }
0xd7: {  	[sflag:s25] =	ssyncadd.s32 $0xFFFFC000  }
0xd8: {  	[tilespmem:s24], [sflag:$0x5] =	stream.linear.gather [spmem:s22], $0x4000, $0x38;
	[tilespmem:$0x1F800] =	vst v63  }
0xd9: {  	_ =	swait.ge [sflag:s25], $0x4000  }
0xda: {  	[sflag:s25] =	ssyncset.done $0x0  }
0xdb: {  	[sflag:s25] =	ssyncadd.s32 $0xFFFFC000  }
0xdc: {  	[hbm4b:s23+s2] =	stream.linear.scatter [tilespmem:s24], [sflag:$0x5], $0x4000, $0x38;
	[tilespmem:$0x1F800] =	vst v63  }
0xdd: {  	_ =	swait.ge [sflag:s25], $0x4000  }
0xde: {  	s8 =	sadd.s32 $0x1, s8;
	s11 =	rddreg [dreg:$0x8]  }
0xdf: {  	p0 =	sne.s32 s8, s11  }
.Ltmp3:
0xe0: {  	_ = 	snop;
	(pc) =	sbr.rel @p0 .LBB2_1-.Ltmp3, $3  }
0xe1: {  	_ =	sdelay $0x1  }
0xe2: {  	[sflag:s25] =	ssyncset.done $0x0  }
0xe3: {  	[sflag:s25] =	ssyncadd.s32 $0xFFFFC000  }
0xe4: {  	_ =	sfence.sel $0x180000  }
0xe5: {  	[bflag:$0x0] =	sbarrier.arrive $0xFFFF  }
0xe6: {  	_ =	strace $0x9000004A  }
0xe7: {  	s0 =	stileid.u32;
	[bflag:$0x2] =	sbarrier.arrive $0xFFFF  }
0xe8: {  	p0 =	sne.s32 s0, $0x0;
	s0 =	rddreg [dreg:$0x3]  }
0xe9: {  	s0 =	sadd.s32 @!p0 $0x100000, s0  }
0xea: {  	[sflag:s0] =	ssyncadd.tile.s32 @!p0 $0x1;
	_ =	shalt  }
.Lfunc_end2:
_tile_overlayer_lowered:
.L_overlay_start_2:
0xeb: {  	(tag) =	ssettag $0x2  }
0xec: {  	s0 =	rddreg [dreg:$0x0];
	s2 =	stileid.u32  }
0xed: {  	s1 =	rddreg [dreg:$0x1];
	p0 =	sne.s32 s2, $0x0  }
0xee: {  	s3 =	rddreg [dreg:$0x2];
	[bflag:$0x3] =	sbarrier.arrive $0xFFFF;
	s2 =	simm.s32 @!p0 $0x1C05  }
0xef: {  	[timem:s3], [sflag:s2] =	dma.local @!p0 [hbm:s0], s1  }
0xf0: {  	s0 =	simm.s32 @!p0 $0x5  }
0xf1: {  	_ =	swait.ge @!p0 [sflag:s0], s1  }
0xf2: {  	s1 =	ssub.s32 @!p0 $0x0, s1;
	[sflag:s0] =	ssyncset.done @!p0 $0x0  }
0xf3: {  	[sflag:s0] =	ssyncadd.s32 @!p0 s1  }
0xf4: {  	[bflag:$0x3] =	sbarrier.arrive $0xFFFF  }
0xf5: {  	_ =	shalt  }

</sc_bundles>
